<compile_context>
chip_gen: v7x
topology: tpu7x:2x2x1
jax: 0.10.2.dev20260603
libtpu: 0.0.44.dev20260713+nightly
codegen_flags: <defaults>
</compile_context>

<pallas_src>
import functools

import jax
import jax.numpy as jnp
from jax import lax
from jax.experimental import pallas as pl
from jax.experimental.pallas import tpu as pltpu
from jax.experimental.pallas import tpu_sc as plsc

N_NODES = 10000
N_EDGES = 160000
F_IN = 256
F_OUT = 256
FH = 128
NC = 2
NS = 16

CHUNK = 125
E_ROWS = N_EDGES // CHUNK
DEG_ROWS_PER_W = E_ROWS // (NC * NS)
AGG_ROWS_PER_W = E_ROWS // NS

STRIPE = 624
TAIL_ROWS = N_NODES - NS * STRIPE

_MESH = plsc.VectorSubcoreMesh(core_axis_name="c", subcore_axis_name="s")


@functools.partial(
    pl.kernel,
    out_type=[jax.ShapeDtypeStruct((N_NODES,), jnp.float32),
              jax.ShapeDtypeStruct((N_NODES,), jnp.float32)],
    mesh=_MESH,
    scratch_types=[
        pltpu.VMEM((DEG_ROWS_PER_W, CHUNK), jnp.int32),
        pltpu.VMEM((CHUNK,), jnp.float32),
        pltpu.VMEM_SHARED((N_NODES,), jnp.float32),
        pltpu.SemaphoreType.DMA,
    ],
)
def _deg_kernel(e_hbm, zeros_hbm, ones_hbm, deg0_hbm, deg1_hbm,
                idx_v, ones_v, deg_sh, sem):
    c = lax.axis_index("c")
    s = lax.axis_index("s")
    w = c * NS + s

    @pl.when(s == 0)
    def _():
        pltpu.sync_copy(zeros_hbm, deg_sh)

    pltpu.sync_copy(
        e_hbm.at[0].at[pl.ds(w * DEG_ROWS_PER_W, DEG_ROWS_PER_W)], idx_v)
    pltpu.sync_copy(ones_hbm, ones_v)
    plsc.subcore_barrier()

    @pl.loop(0, DEG_ROWS_PER_W, step=8)
    def _(j):
        for t in range(8):
            pltpu.async_copy(ones_v, deg_sh.at[idx_v.at[j + t]], sem,
                             add=True)
        for t in range(8):
            pltpu.make_async_copy(ones_v, deg_sh.at[idx_v.at[j + t]],
                                  sem).wait()

    plsc.subcore_barrier()

    @pl.when((s == 0) & (c == 0))
    def _():
        pltpu.sync_copy(deg_sh, deg0_hbm)

    @pl.when((s == 0) & (c == 1))
    def _():
        pltpu.sync_copy(deg_sh, deg1_hbm)


_TC_BLOCK = 2000


def _tc_body(x_ref, w_ref, deg_ref, h_ref):
    norm = lax.rsqrt(deg_ref[...] + 1.0)
    h = jnp.dot(x_ref[...].astype(jnp.bfloat16),
                w_ref[...].astype(jnp.bfloat16),
                preferred_element_type=jnp.float32)
    h = h * norm
    h_ref[0] = h[:, :FH]
    h_ref[1] = h[:, FH:]


def _tc_matmul(x, W, degsum):
    grid = (N_NODES // _TC_BLOCK,)
    return pl.pallas_call(
        _tc_body,
        grid=grid,
        in_specs=[
            pl.BlockSpec((_TC_BLOCK, F_IN), lambda i: (i, 0)),
            pl.BlockSpec((F_IN, F_OUT), lambda i: (0, 0)),
            pl.BlockSpec((_TC_BLOCK, 1), lambda i: (i, 0)),
        ],
        out_specs=pl.BlockSpec((NC, _TC_BLOCK, FH), lambda i: (0, i, 0)),
        out_shape=jax.ShapeDtypeStruct((NC, N_NODES, FH), jnp.float32),
    )(x, W, degsum)


@functools.partial(
    pl.kernel,
    out_type=jax.ShapeDtypeStruct((N_NODES, F_OUT), jnp.float32),
    mesh=_MESH,
    scratch_types=[
        pltpu.VMEM((AGG_ROWS_PER_W, CHUNK), jnp.int32),
        pltpu.VMEM((40, CHUNK), jnp.int32),
        pltpu.VMEM((CHUNK, FH), jnp.float32),
        pltpu.VMEM((CHUNK, FH), jnp.float32),
        pltpu.VMEM_SHARED((N_NODES, FH), jnp.float32),
        pltpu.SemaphoreType.DMA,
        pltpu.SemaphoreType.DMA,
        pltpu.SemaphoreType.DMA,
        pltpu.SemaphoreType.DMA,
    ],
)
def _agg_kernel(h_hbm, e_hbm, binit_hbm, out_hbm,
                sidx_v, didx_g, rows_a, rows_b, acc_sh,
                sem_a, sem_b, sem_sa, sem_sb):
    c = lax.axis_index("c")
    s = lax.axis_index("s")

    pltpu.sync_copy(binit_hbm.at[c].at[pl.ds(s * STRIPE, STRIPE)],
                    acc_sh.at[pl.ds(s * STRIPE, STRIPE)])

    @pl.when(s == NS - 1)
    def _():
        pltpu.sync_copy(binit_hbm.at[c].at[pl.ds(NS * STRIPE, TAIL_ROWS)],
                        acc_sh.at[pl.ds(NS * STRIPE, TAIL_ROWS)])

    pltpu.sync_copy(
        e_hbm.at[0].at[pl.ds(s * AGG_ROWS_PER_W, AGG_ROWS_PER_W)],
        sidx_v)
    plsc.subcore_barrier()

    tab = h_hbm.at[c]

    pltpu.async_copy(tab.at[sidx_v.at[0]], rows_a, sem_a)
    pltpu.async_copy(tab.at[sidx_v.at[1]], rows_b, sem_b)

    @pl.loop(0, AGG_ROWS_PER_W, step=2)
    def _(j):
        @pl.when(lax.rem(j, 40) == 0)
        def _():
            base = pl.multiple_of(s * AGG_ROWS_PER_W + j, 8)
            pltpu.sync_copy(e_hbm.at[1].at[pl.ds(base, 40)], didx_g)

        k = lax.rem(j, 40)
        pltpu.make_async_copy(tab.at[sidx_v.at[j]], rows_a, sem_a).wait()
        pltpu.sync_copy(rows_a, acc_sh.at[didx_g.at[k]], add=True)

        @pl.when(j + 2 < AGG_ROWS_PER_W)
        def _():
            pltpu.async_copy(tab.at[sidx_v.at[j + 2]], rows_a, sem_a)

        pltpu.make_async_copy(tab.at[sidx_v.at[j + 1]], rows_b, sem_b).wait()
        pltpu.sync_copy(rows_b, acc_sh.at[didx_g.at[k + 1]], add=True)

        @pl.when(j + 3 < AGG_ROWS_PER_W)
        def _():
            pltpu.async_copy(tab.at[sidx_v.at[j + 3]], rows_b, sem_b)

    plsc.subcore_barrier()

    pltpu.sync_copy(
        acc_sh.at[pl.ds(s * STRIPE, STRIPE)],
        out_hbm.at[pl.ds(s * STRIPE, STRIPE), pl.ds(c * FH, FH)])

    @pl.when(s == NS - 1)
    def _():
        pltpu.sync_copy(
            acc_sh.at[pl.ds(NS * STRIPE, TAIL_ROWS)],
            out_hbm.at[pl.ds(NS * STRIPE, TAIL_ROWS), pl.ds(c * FH, FH)])


def kernel(x, edge_index, W, b):
    e3 = edge_index.astype(jnp.int32).reshape(2, E_ROWS, CHUNK)

    zeros_1d = jnp.zeros((N_NODES,), jnp.float32)
    ones_c = jnp.ones((CHUNK,), jnp.float32)
    deg0, deg1 = _deg_kernel(e3, zeros_1d, ones_c)

    h = _tc_matmul(x, W, (deg0 + deg1).reshape(N_NODES, 1))

    binit = jnp.broadcast_to(b.reshape(NC, 1, FH), (NC, N_NODES, FH))
    return _agg_kernel(h, e3, binit)

# --- scband reference (transcript-rebuilt; emitter-appended) ---
"""Pipeline reference for scband-dgl-gcnconv-32160715112811 (READ-ONLY COPY).

The authoritative reference and input builder live on the scoring server;
editing this copy changes nothing except your own understanding.
"""

import jax, jax.numpy as jnp
import numpy as np

N_NODES = 10000
N_EDGES = 160000
IN_FEATS = 256
OUT_FEATS = 256


def _xavier_uniform(key, shape, dtype=jnp.float32):
    fan_in, fan_out = shape[0], shape[1]
    limit = float(np.sqrt(6.0 / (fan_in + fan_out)))
    return jax.random.uniform(key, shape, dtype=dtype, minval=-limit, maxval=limit)


def setup_inputs(seed: int = 0) -> dict:
    key = jax.random.key(seed)
    k_x, k_e, k_w = jax.random.split(key, 3)
    x = jax.random.normal(k_x, (N_NODES, IN_FEATS), dtype=jnp.float32)
    edge_index = jax.random.randint(k_e, (2, N_EDGES), 0, N_NODES, dtype=jnp.int64)
    W = _xavier_uniform(k_w, (IN_FEATS, OUT_FEATS))
    b = jnp.zeros((OUT_FEATS,), dtype=jnp.float32)
    return {"x": x, "edge_index": edge_index, "W": W, "b": b}


def reference(x, edge_index, W, b):
    src = edge_index[0]
    dst = edge_index[1]
    n = x.shape[0]
    # combine: x @ W
    h = jnp.matmul(x, W)
    # out_degrees + 1, then symmetric-ish src-side normalization deg^{-0.5}
    out_deg = jnp.zeros((n,), dtype=jnp.float32).at[src].add(1.0) + 1.0
    norm = jnp.power(out_deg, -0.5)
    h = h * norm[:, None]
    # message passing: copy_u('x','m') then sum at dst (scatter-add)
    msgs = jnp.take(h, src, axis=0)
    out = jnp.zeros((n, h.shape[1]), dtype=h.dtype).at[dst].add(msgs)
    return out + b

if __name__ == "__main__":
    import jax
    _d = setup_inputs()
    print(jax.jit(kernel)(*tuple(_d.values())))

</pallas_src>

<mosaic_0001>
#map = affine_map<(d0, d1) -> (0, 0, 0)>
#map1 = affine_map<(d0, d1) -> (0)>
module attributes {stable_mosaic.version = 14 : i64} {
  func.func @_deg_kernel(%arg0: i32, %arg1: i32, %arg2: memref<2x1280x125xi32, #tpu.memory_space<hbm>>, %arg3: memref<10000xf32, #tpu.memory_space<hbm>>, %arg4: memref<125xf32, #tpu.memory_space<hbm>>, %arg5: memref<10000xf32, #tpu.memory_space<hbm>>, %arg6: memref<10000xf32, #tpu.memory_space<hbm>>, %arg7: memref<40x125xi32, #tpu.memory_space<vmem>>, %arg8: memref<125xf32, #tpu.memory_space<vmem>>, %arg9: memref<10000xf32, #tpu.memory_space<vmem_shared>>, %arg10: memref<!tpu.dma_semaphore, #tpu.memory_space<semaphore_mem>>) attributes {dimension_semantics = [#tpu.dimension_semantics<core_parallel>, #tpu.dimension_semantics<subcore_parallel>], iteration_bounds = array<i64: 2, 16>, scalar_prefetch = 0 : i64, scratch_operands = 4 : i64, tpu.core_type = #tpu.core_type<sc_vector_subcore>, window_params = [{transform_indices = #map}, {transform_indices = #map1}, {transform_indices = #map1}, {transform_indices = #map1}, {transform_indices = #map1}]} {
    %mul3A = arith.constant 16 : i32
    %mul3A_0 = arith.muli %arg0, %mul3A : i32
    %add3A = arith.addi %mul3A_0, %arg1 : i32
    %eq3A = arith.constant 0 : i32
    %eq3A_1 = arith.cmpi eq, %arg1, %eq3A : i32
    %convert_element_type3A = arith.extui %eq3A_1 : i1 to i32
    %cond3A = arith.constant 0 : i32
    %cond3A_2 = arith.cmpi ne, %convert_element_type3A, %cond3A : i32
    scf.if %cond3A_2 {
      "tpu.region"() ({
        %run_scoped3A_25 = tpu.sem_alloc : memref<!tpu.dma_semaphore, #tpu.memory_space<semaphore_mem>>
        tpu.enqueue_dma source(%arg3 : memref<10000xf32, #tpu.memory_space<hbm>>) target(%arg9 : memref<10000xf32, #tpu.memory_space<vmem_shared>>) target_semaphore(%run_scoped3A_25 : memref<!tpu.dma_semaphore, #tpu.memory_space<semaphore_mem>>)
        tpu.wait_dma2 semaphore(%run_scoped3A_25 : memref<!tpu.dma_semaphore, #tpu.memory_space<semaphore_mem>>) src(%arg3 : memref<10000xf32, #tpu.memory_space<hbm>>) dst(%arg9 : memref<10000xf32, #tpu.memory_space<vmem_shared>>)
        tpu.yield
      }) : () -> ()
    } else {
    }
    %mul3A_3 = arith.constant 40 : i32
    %mul3A_4 = arith.muli %add3A, %mul3A_3 : i32
    %run_scoped3A = arith.constant 0 : i32
    "tpu.region"() ({
      %run_scoped3A_25 = tpu.sem_alloc : memref<!tpu.dma_semaphore, #tpu.memory_space<semaphore_mem>>
      %dma_start3A = arith.constant 0 : i32
      %dma_start3A_26 = arith.constant 0 : i32
      %dma_start3A_27 = tpu.memref_slice %arg2[%run_scoped3A, %dma_start3A, %dma_start3A_26] : memref<2x1280x125xi32, #tpu.memory_space<hbm>> -> memref<1x1280x125xi32, #tpu.memory_space<hbm>>
      %dma_start3A_28 = tpu.memref_squeeze %dma_start3A_27 : memref<1x1280x125xi32, #tpu.memory_space<hbm>> -> memref<1280x125xi32, #tpu.memory_space<hbm>>
      %dma_start3A_29 = arith.constant 0 : i32
      %dma_start3A_30 = tpu.memref_slice %dma_start3A_28[%mul3A_4, %dma_start3A_29] : memref<1280x125xi32, #tpu.memory_space<hbm>> -> memref<40x125xi32, #tpu.memory_space<hbm>>
      %dma_start3A_31 = arith.constant 0 : i32
      %dma_start3A_32 = arith.constant 0 : i32
      %dma_start3A_33 = tpu.memref_slice %arg2[%run_scoped3A, %dma_start3A_31, %dma_start3A_32] : memref<2x1280x125xi32, #tpu.memory_space<hbm>> -> memref<1x1280x125xi32, #tpu.memory_space<hbm>>
      %dma_start3A_34 = tpu.memref_squeeze %dma_start3A_33 : memref<1x1280x125xi32, #tpu.memory_space<hbm>> -> memref<1280x125xi32, #tpu.memory_space<hbm>>
      %dma_start3A_35 = arith.constant 0 : i32
      %dma_start3A_36 = tpu.memref_slice %dma_start3A_34[%mul3A_4, %dma_start3A_35] : memref<1280x125xi32, #tpu.memory_space<hbm>> -> memref<40x125xi32, #tpu.memory_space<hbm>>
      tpu.enqueue_dma source(%dma_start3A_36 : memref<40x125xi32, #tpu.memory_space<hbm>>) target(%arg7 : memref<40x125xi32, #tpu.memory_space<vmem>>) target_semaphore(%run_scoped3A_25 : memref<!tpu.dma_semaphore, #tpu.memory_space<semaphore_mem>>)
      %dma_wait3A = arith.constant 0 : i32
      %dma_wait3A_37 = arith.constant 0 : i32
      %dma_wait3A_38 = tpu.memref_slice %arg2[%run_scoped3A, %dma_wait3A, %dma_wait3A_37] : memref<2x1280x125xi32, #tpu.memory_space<hbm>> -> memref<1x1280x125xi32, #tpu.memory_space<hbm>>
      %dma_wait3A_39 = tpu.memref_squeeze %dma_wait3A_38 : memref<1x1280x125xi32, #tpu.memory_space<hbm>> -> memref<1280x125xi32, #tpu.memory_space<hbm>>
      %dma_wait3A_40 = arith.constant 0 : i32
      %dma_wait3A_41 = tpu.memref_slice %dma_wait3A_39[%mul3A_4, %dma_wait3A_40] : memref<1280x125xi32, #tpu.memory_space<hbm>> -> memref<40x125xi32, #tpu.memory_space<hbm>>
      %dma_wait3A_42 = arith.constant 0 : i32
      %dma_wait3A_43 = arith.constant 0 : i32
      %dma_wait3A_44 = tpu.memref_slice %arg2[%run_scoped3A, %dma_wait3A_42, %dma_wait3A_43] : memref<2x1280x125xi32, #tpu.memory_space<hbm>> -> memref<1x1280x125xi32, #tpu.memory_space<hbm>>
      %dma_wait3A_45 = tpu.memref_squeeze %dma_wait3A_44 : memref<1x1280x125xi32, #tpu.memory_space<hbm>> -> memref<1280x125xi32, #tpu.memory_space<hbm>>
      %dma_wait3A_46 = arith.constant 0 : i32
      %dma_wait3A_47 = tpu.memref_slice %dma_wait3A_45[%mul3A_4, %dma_wait3A_46] : memref<1280x125xi32, #tpu.memory_space<hbm>> -> memref<40x125xi32, #tpu.memory_space<hbm>>
      tpu.wait_dma2 semaphore(%run_scoped3A_25 : memref<!tpu.dma_semaphore, #tpu.memory_space<semaphore_mem>>) src(%dma_wait3A_47 : memref<40x125xi32, #tpu.memory_space<hbm>>) dst(%arg7 : memref<40x125xi32, #tpu.memory_space<vmem>>)
      tpu.yield
    }) : () -> ()
    "tpu.region"() ({
      %run_scoped3A_25 = tpu.sem_alloc : memref<!tpu.dma_semaphore, #tpu.memory_space<semaphore_mem>>
      tpu.enqueue_dma source(%arg4 : memref<125xf32, #tpu.memory_space<hbm>>) target(%arg8 : memref<125xf32, #tpu.memory_space<vmem>>) target_semaphore(%run_scoped3A_25 : memref<!tpu.dma_semaphore, #tpu.memory_space<semaphore_mem>>)
      tpu.wait_dma2 semaphore(%run_scoped3A_25 : memref<!tpu.dma_semaphore, #tpu.memory_space<semaphore_mem>>) src(%arg4 : memref<125xf32, #tpu.memory_space<hbm>>) dst(%arg8 : memref<125xf32, #tpu.memory_space<vmem>>)
      tpu.yield
    }) : () -> ()
    %barrier3A = arith.constant 0 : index
    tpu.barrier barrier_id(%barrier3A)
    %scan3A = arith.constant 0 : i32
    %scan3A_5 = arith.constant 5 : i32
    %scan3A_6 = arith.addi %scan3A, %scan3A_5 : i32
    %scan3A_7 = arith.constant 1 : i32
    scf.for %scan3A_25 = %scan3A to %scan3A_6 step %scan3A_7  : i32 {
      %mul3A_26 = arith.constant 8 : i32
      %mul3A_27 = arith.muli %scan3A_25, %mul3A_26 : i32
      %add3A_28 = arith.constant 0 : i32
      %add3A_29 = arith.addi %add3A_28, %mul3A_27 : i32
      %add3A_30 = arith.constant 0 : i32
      %add3A_31 = arith.addi %add3A_29, %add3A_30 : i32
      %dma_start3A = arith.constant 0 : i32
      %dma_start3A_32 = tpu.memref_slice %arg7[%add3A_31, %dma_start3A] : memref<40x125xi32, #tpu.memory_space<vmem>> -> memref<1x125xi32, #tpu.memory_space<vmem>>
      %dma_start3A_33 = tpu.memref_squeeze %dma_start3A_32 : memref<1x125xi32, #tpu.memory_space<vmem>> -> memref<125xi32, #tpu.memory_space<vmem>>
      %dma_start3A_34 = arith.constant 0 : i32
      %dma_start3A_35 = tpu.memref_slice %arg9[%dma_start3A_34] : memref<10000xf32, #tpu.memory_space<vmem_shared>> -> memref<10000xf32, #tpu.memory_space<vmem_shared>>
      tpu.enqueue_indirect_dma source(%arg8 : memref<125xf32, #tpu.memory_space<vmem>>) target(%dma_start3A_35 : memref<10000xf32, #tpu.memory_space<vmem_shared>>) offsets(%dma_start3A_33 : memref<125xi32, #tpu.memory_space<vmem>>) semaphore(%arg10 : memref<!tpu.dma_semaphore, #tpu.memory_space<semaphore_mem>>) {add = true}
      %add3A_36 = arith.constant 1 : i32
      %add3A_37 = arith.addi %add3A_29, %add3A_36 : i32
      %dma_start3A_38 = arith.constant 0 : i32
      %dma_start3A_39 = tpu.memref_slice %arg7[%add3A_37, %dma_start3A_38] : memref<40x125xi32, #tpu.memory_space<vmem>> -> memref<1x125xi32, #tpu.memory_space<vmem>>
      %dma_start3A_40 = tpu.memref_squeeze %dma_start3A_39 : memref<1x125xi32, #tpu.memory_space<vmem>> -> memref<125xi32, #tpu.memory_space<vmem>>
      %dma_start3A_41 = arith.constant 0 : i32
      %dma_start3A_42 = tpu.memref_slice %arg9[%dma_start3A_41] : memref<10000xf32, #tpu.memory_space<vmem_shared>> -> memref<10000xf32, #tpu.memory_space<vmem_shared>>
      tpu.enqueue_indirect_dma source(%arg8 : memref<125xf32, #tpu.memory_space<vmem>>) target(%dma_start3A_42 : memref<10000xf32, #tpu.memory_space<vmem_shared>>) offsets(%dma_start3A_40 : memref<125xi32, #tpu.memory_space<vmem>>) semaphore(%arg10 : memref<!tpu.dma_semaphore, #tpu.memory_space<semaphore_mem>>) {add = true}
      %add3A_43 = arith.constant 2 : i32
      %add3A_44 = arith.addi %add3A_29, %add3A_43 : i32
      %dma_start3A_45 = arith.constant 0 : i32
      %dma_start3A_46 = tpu.memref_slice %arg7[%add3A_44, %dma_start3A_45] : memref<40x125xi32, #tpu.memory_space<vmem>> -> memref<1x125xi32, #tpu.memory_space<vmem>>
      %dma_start3A_47 = tpu.memref_squeeze %dma_start3A_46 : memref<1x125xi32, #tpu.memory_space<vmem>> -> memref<125xi32, #tpu.memory_space<vmem>>
      %dma_start3A_48 = arith.constant 0 : i32
      %dma_start3A_49 = tpu.memref_slice %arg9[%dma_start3A_48] : memref<10000xf32, #tpu.memory_space<vmem_shared>> -> memref<10000xf32, #tpu.memory_space<vmem_shared>>
      tpu.enqueue_indirect_dma source(%arg8 : memref<125xf32, #tpu.memory_space<vmem>>) target(%dma_start3A_49 : memref<10000xf32, #tpu.memory_space<vmem_shared>>) offsets(%dma_start3A_47 : memref<125xi32, #tpu.memory_space<vmem>>) semaphore(%arg10 : memref<!tpu.dma_semaphore, #tpu.memory_space<semaphore_mem>>) {add = true}
      %add3A_50 = arith.constant 3 : i32
      %add3A_51 = arith.addi %add3A_29, %add3A_50 : i32
      %dma_start3A_52 = arith.constant 0 : i32
      %dma_start3A_53 = tpu.memref_slice %arg7[%add3A_51, %dma_start3A_52] : memref<40x125xi32, #tpu.memory_space<vmem>> -> memref<1x125xi32, #tpu.memory_space<vmem>>
      %dma_start3A_54 = tpu.memref_squeeze %dma_start3A_53 : memref<1x125xi32, #tpu.memory_space<vmem>> -> memref<125xi32, #tpu.memory_space<vmem>>
      %dma_start3A_55 = arith.constant 0 : i32
      %dma_start3A_56 = tpu.memref_slice %arg9[%dma_start3A_55] : memref<10000xf32, #tpu.memory_space<vmem_shared>> -> memref<10000xf32, #tpu.memory_space<vmem_shared>>
      tpu.enqueue_indirect_dma source(%arg8 : memref<125xf32, #tpu.memory_space<vmem>>) target(%dma_start3A_56 : memref<10000xf32, #tpu.memory_space<vmem_shared>>) offsets(%dma_start3A_54 : memref<125xi32, #tpu.memory_space<vmem>>) semaphore(%arg10 : memref<!tpu.dma_semaphore, #tpu.memory_space<semaphore_mem>>) {add = true}
      %add3A_57 = arith.constant 4 : i32
      %add3A_58 = arith.addi %add3A_29, %add3A_57 : i32
      %dma_start3A_59 = arith.constant 0 : i32
      %dma_start3A_60 = tpu.memref_slice %arg7[%add3A_58, %dma_start3A_59] : memref<40x125xi32, #tpu.memory_space<vmem>> -> memref<1x125xi32, #tpu.memory_space<vmem>>
      %dma_start3A_61 = tpu.memref_squeeze %dma_start3A_60 : memref<1x125xi32, #tpu.memory_space<vmem>> -> memref<125xi32, #tpu.memory_space<vmem>>
      %dma_start3A_62 = arith.constant 0 : i32
      %dma_start3A_63 = tpu.memref_slice %arg9[%dma_start3A_62] : memref<10000xf32, #tpu.memory_space<vmem_shared>> -> memref<10000xf32, #tpu.memory_space<vmem_shared>>
      tpu.enqueue_indirect_dma source(%arg8 : memref<125xf32, #tpu.memory_space<vmem>>) target(%dma_start3A_63 : memref<10000xf32, #tpu.memory_space<vmem_shared>>) offsets(%dma_start3A_61 : memref<125xi32, #tpu.memory_space<vmem>>) semaphore(%arg10 : memref<!tpu.dma_semaphore, #tpu.memory_space<semaphore_mem>>) {add = true}
      %add3A_64 = arith.constant 5 : i32
      %add3A_65 = arith.addi %add3A_29, %add3A_64 : i32
      %dma_start3A_66 = arith.constant 0 : i32
      %dma_start3A_67 = tpu.memref_slice %arg7[%add3A_65, %dma_start3A_66] : memref<40x125xi32, #tpu.memory_space<vmem>> -> memref<1x125xi32, #tpu.memory_space<vmem>>
      %dma_start3A_68 = tpu.memref_squeeze %dma_start3A_67 : memref<1x125xi32, #tpu.memory_space<vmem>> -> memref<125xi32, #tpu.memory_space<vmem>>
      %dma_start3A_69 = arith.constant 0 : i32
      %dma_start3A_70 = tpu.memref_slice %arg9[%dma_start3A_69] : memref<10000xf32, #tpu.memory_space<vmem_shared>> -> memref<10000xf32, #tpu.memory_space<vmem_shared>>
      tpu.enqueue_indirect_dma source(%arg8 : memref<125xf32, #tpu.memory_space<vmem>>) target(%dma_start3A_70 : memref<10000xf32, #tpu.memory_space<vmem_shared>>) offsets(%dma_start3A_68 : memref<125xi32, #tpu.memory_space<vmem>>) semaphore(%arg10 : memref<!tpu.dma_semaphore, #tpu.memory_space<semaphore_mem>>) {add = true}
      %add3A_71 = arith.constant 6 : i32
      %add3A_72 = arith.addi %add3A_29, %add3A_71 : i32
      %dma_start3A_73 = arith.constant 0 : i32
      %dma_start3A_74 = tpu.memref_slice %arg7[%add3A_72, %dma_start3A_73] : memref<40x125xi32, #tpu.memory_space<vmem>> -> memref<1x125xi32, #tpu.memory_space<vmem>>
      %dma_start3A_75 = tpu.memref_squeeze %dma_start3A_74 : memref<1x125xi32, #tpu.memory_space<vmem>> -> memref<125xi32, #tpu.memory_space<vmem>>
      %dma_start3A_76 = arith.constant 0 : i32
      %dma_start3A_77 = tpu.memref_slice %arg9[%dma_start3A_76] : memref<10000xf32, #tpu.memory_space<vmem_shared>> -> memref<10000xf32, #tpu.memory_space<vmem_shared>>
      tpu.enqueue_indirect_dma source(%arg8 : memref<125xf32, #tpu.memory_space<vmem>>) target(%dma_start3A_77 : memref<10000xf32, #tpu.memory_space<vmem_shared>>) offsets(%dma_start3A_75 : memref<125xi32, #tpu.memory_space<vmem>>) semaphore(%arg10 : memref<!tpu.dma_semaphore, #tpu.memory_space<semaphore_mem>>) {add = true}
      %add3A_78 = arith.constant 7 : i32
      %add3A_79 = arith.addi %add3A_29, %add3A_78 : i32
      %dma_start3A_80 = arith.constant 0 : i32
      %dma_start3A_81 = tpu.memref_slice %arg7[%add3A_79, %dma_start3A_80] : memref<40x125xi32, #tpu.memory_space<vmem>> -> memref<1x125xi32, #tpu.memory_space<vmem>>
      %dma_start3A_82 = tpu.memref_squeeze %dma_start3A_81 : memref<1x125xi32, #tpu.memory_space<vmem>> -> memref<125xi32, #tpu.memory_space<vmem>>
      %dma_start3A_83 = arith.constant 0 : i32
      %dma_start3A_84 = tpu.memref_slice %arg9[%dma_start3A_83] : memref<10000xf32, #tpu.memory_space<vmem_shared>> -> memref<10000xf32, #tpu.memory_space<vmem_shared>>
      tpu.enqueue_indirect_dma source(%arg8 : memref<125xf32, #tpu.memory_space<vmem>>) target(%dma_start3A_84 : memref<10000xf32, #tpu.memory_space<vmem_shared>>) offsets(%dma_start3A_82 : memref<125xi32, #tpu.memory_space<vmem>>) semaphore(%arg10 : memref<!tpu.dma_semaphore, #tpu.memory_space<semaphore_mem>>) {add = true}
      %add3A_85 = arith.constant 0 : i32
      %add3A_86 = arith.addi %add3A_29, %add3A_85 : i32
      %dma_wait3A = arith.constant 0 : i32
      %dma_wait3A_87 = tpu.memref_slice %arg7[%add3A_86, %dma_wait3A] : memref<40x125xi32, #tpu.memory_space<vmem>> -> memref<1x125xi32, #tpu.memory_space<vmem>>
      %dma_wait3A_88 = tpu.memref_squeeze %dma_wait3A_87 : memref<1x125xi32, #tpu.memory_space<vmem>> -> memref<125xi32, #tpu.memory_space<vmem>>
      %dma_wait3A_89 = arith.constant 0 : i32
      %dma_wait3A_90 = tpu.memref_slice %arg9[%dma_wait3A_89] : memref<10000xf32, #tpu.memory_space<vmem_shared>> -> memref<10000xf32, #tpu.memory_space<vmem_shared>>
      tpu.wait_indirect_dma semaphore(%arg10 : memref<!tpu.dma_semaphore, #tpu.memory_space<semaphore_mem>>) src(%arg8 : memref<125xf32, #tpu.memory_space<vmem>>) dst(%dma_wait3A_90 : memref<10000xf32, #tpu.memory_space<vmem_shared>>)
      %add3A_91 = arith.constant 1 : i32
      %add3A_92 = arith.addi %add3A_29, %add3A_91 : i32
      %dma_wait3A_93 = arith.constant 0 : i32
      %dma_wait3A_94 = tpu.memref_slice %arg7[%add3A_92, %dma_wait3A_93] : memref<40x125xi32, #tpu.memory_space<vmem>> -> memref<1x125xi32, #tpu.memory_space<vmem>>
      %dma_wait3A_95 = tpu.memref_squeeze %dma_wait3A_94 : memref<1x125xi32, #tpu.memory_space<vmem>> -> memref<125xi32, #tpu.memory_space<vmem>>
      %dma_wait3A_96 = arith.constant 0 : i32
      %dma_wait3A_97 = tpu.memref_slice %arg9[%dma_wait3A_96] : memref<10000xf32, #tpu.memory_space<vmem_shared>> -> memref<10000xf32, #tpu.memory_space<vmem_shared>>
      tpu.wait_indirect_dma semaphore(%arg10 : memref<!tpu.dma_semaphore, #tpu.memory_space<semaphore_mem>>) src(%arg8 : memref<125xf32, #tpu.memory_space<vmem>>) dst(%dma_wait3A_97 : memref<10000xf32, #tpu.memory_space<vmem_shared>>)
      %add3A_98 = arith.constant 2 : i32
      %add3A_99 = arith.addi %add3A_29, %add3A_98 : i32
      %dma_wait3A_100 = arith.constant 0 : i32
      %dma_wait3A_101 = tpu.memref_slice %arg7[%add3A_99, %dma_wait3A_100] : memref<40x125xi32, #tpu.memory_space<vmem>> -> memref<1x125xi32, #tpu.memory_space<vmem>>
      %dma_wait3A_102 = tpu.memref_squeeze %dma_wait3A_101 : memref<1x125xi32, #tpu.memory_space<vmem>> -> memref<125xi32, #tpu.memory_space<vmem>>
      %dma_wait3A_103 = arith.constant 0 : i32
      %dma_wait3A_104 = tpu.memref_slice %arg9[%dma_wait3A_103] : memref<10000xf32, #tpu.memory_space<vmem_shared>> -> memref<10000xf32, #tpu.memory_space<vmem_shared>>
      tpu.wait_indirect_dma semaphore(%arg10 : memref<!tpu.dma_semaphore, #tpu.memory_space<semaphore_mem>>) src(%arg8 : memref<125xf32, #tpu.memory_space<vmem>>) dst(%dma_wait3A_104 : memref<10000xf32, #tpu.memory_space<vmem_shared>>)
      %add3A_105 = arith.constant 3 : i32
      %add3A_106 = arith.addi %add3A_29, %add3A_105 : i32
      %dma_wait3A_107 = arith.constant 0 : i32
      %dma_wait3A_108 = tpu.memref_slice %arg7[%add3A_106, %dma_wait3A_107] : memref<40x125xi32, #tpu.memory_space<vmem>> -> memref<1x125xi32, #tpu.memory_space<vmem>>
      %dma_wait3A_109 = tpu.memref_squeeze %dma_wait3A_108 : memref<1x125xi32, #tpu.memory_space<vmem>> -> memref<125xi32, #tpu.memory_space<vmem>>
      %dma_wait3A_110 = arith.constant 0 : i32
      %dma_wait3A_111 = tpu.memref_slice %arg9[%dma_wait3A_110] : memref<10000xf32, #tpu.memory_space<vmem_shared>> -> memref<10000xf32, #tpu.memory_space<vmem_shared>>
      tpu.wait_indirect_dma semaphore(%arg10 : memref<!tpu.dma_semaphore, #tpu.memory_space<semaphore_mem>>) src(%arg8 : memref<125xf32, #tpu.memory_space<vmem>>) dst(%dma_wait3A_111 : memref<10000xf32, #tpu.memory_space<vmem_shared>>)
      %add3A_112 = arith.constant 4 : i32
      %add3A_113 = arith.addi %add3A_29, %add3A_112 : i32
      %dma_wait3A_114 = arith.constant 0 : i32
      %dma_wait3A_115 = tpu.memref_slice %arg7[%add3A_113, %dma_wait3A_114] : memref<40x125xi32, #tpu.memory_space<vmem>> -> memref<1x125xi32, #tpu.memory_space<vmem>>
      %dma_wait3A_116 = tpu.memref_squeeze %dma_wait3A_115 : memref<1x125xi32, #tpu.memory_space<vmem>> -> memref<125xi32, #tpu.memory_space<vmem>>
      %dma_wait3A_117 = arith.constant 0 : i32
      %dma_wait3A_118 = tpu.memref_slice %arg9[%dma_wait3A_117] : memref<10000xf32, #tpu.memory_space<vmem_shared>> -> memref<10000xf32, #tpu.memory_space<vmem_shared>>
      tpu.wait_indirect_dma semaphore(%arg10 : memref<!tpu.dma_semaphore, #tpu.memory_space<semaphore_mem>>) src(%arg8 : memref<125xf32, #tpu.memory_space<vmem>>) dst(%dma_wait3A_118 : memref<10000xf32, #tpu.memory_space<vmem_shared>>)
      %add3A_119 = arith.constant 5 : i32
      %add3A_120 = arith.addi %add3A_29, %add3A_119 : i32
      %dma_wait3A_121 = arith.constant 0 : i32
      %dma_wait3A_122 = tpu.memref_slice %arg7[%add3A_120, %dma_wait3A_121] : memref<40x125xi32, #tpu.memory_space<vmem>> -> memref<1x125xi32, #tpu.memory_space<vmem>>
      %dma_wait3A_123 = tpu.memref_squeeze %dma_wait3A_122 : memref<1x125xi32, #tpu.memory_space<vmem>> -> memref<125xi32, #tpu.memory_space<vmem>>
      %dma_wait3A_124 = arith.constant 0 : i32
      %dma_wait3A_125 = tpu.memref_slice %arg9[%dma_wait3A_124] : memref<10000xf32, #tpu.memory_space<vmem_shared>> -> memref<10000xf32, #tpu.memory_space<vmem_shared>>
      tpu.wait_indirect_dma semaphore(%arg10 : memref<!tpu.dma_semaphore, #tpu.memory_space<semaphore_mem>>) src(%arg8 : memref<125xf32, #tpu.memory_space<vmem>>) dst(%dma_wait3A_125 : memref<10000xf32, #tpu.memory_space<vmem_shared>>)
      %add3A_126 = arith.constant 6 : i32
      %add3A_127 = arith.addi %add3A_29, %add3A_126 : i32
      %dma_wait3A_128 = arith.constant 0 : i32
      %dma_wait3A_129 = tpu.memref_slice %arg7[%add3A_127, %dma_wait3A_128] : memref<40x125xi32, #tpu.memory_space<vmem>> -> memref<1x125xi32, #tpu.memory_space<vmem>>
      %dma_wait3A_130 = tpu.memref_squeeze %dma_wait3A_129 : memref<1x125xi32, #tpu.memory_space<vmem>> -> memref<125xi32, #tpu.memory_space<vmem>>
      %dma_wait3A_131 = arith.constant 0 : i32
      %dma_wait3A_132 = tpu.memref_slice %arg9[%dma_wait3A_131] : memref<10000xf32, #tpu.memory_space<vmem_shared>> -> memref<10000xf32, #tpu.memory_space<vmem_shared>>
      tpu.wait_indirect_dma semaphore(%arg10 : memref<!tpu.dma_semaphore, #tpu.memory_space<semaphore_mem>>) src(%arg8 : memref<125xf32, #tpu.memory_space<vmem>>) dst(%dma_wait3A_132 : memref<10000xf32, #tpu.memory_space<vmem_shared>>)
      %add3A_133 = arith.constant 7 : i32
      %add3A_134 = arith.addi %add3A_29, %add3A_133 : i32
      %dma_wait3A_135 = arith.constant 0 : i32
      %dma_wait3A_136 = tpu.memref_slice %arg7[%add3A_134, %dma_wait3A_135] : memref<40x125xi32, #tpu.memory_space<vmem>> -> memref<1x125xi32, #tpu.memory_space<vmem>>
      %dma_wait3A_137 = tpu.memref_squeeze %dma_wait3A_136 : memref<1x125xi32, #tpu.memory_space<vmem>> -> memref<125xi32, #tpu.memory_space<vmem>>
      %dma_wait3A_138 = arith.constant 0 : i32
      %dma_wait3A_139 = tpu.memref_slice %arg9[%dma_wait3A_138] : memref<10000xf32, #tpu.memory_space<vmem_shared>> -> memref<10000xf32, #tpu.memory_space<vmem_shared>>
      tpu.wait_indirect_dma semaphore(%arg10 : memref<!tpu.dma_semaphore, #tpu.memory_space<semaphore_mem>>) src(%arg8 : memref<125xf32, #tpu.memory_space<vmem>>) dst(%dma_wait3A_139 : memref<10000xf32, #tpu.memory_space<vmem_shared>>)
    }
    %scan3A_8 = arith.constant 5 : i32
    %barrier3A_9 = arith.constant 0 : index
    tpu.barrier barrier_id(%barrier3A_9)
    %eq3A_10 = arith.constant 0 : i32
    %eq3A_11 = arith.cmpi eq, %arg1, %eq3A_10 : i32
    %eq3A_12 = arith.constant 0 : i32
    %eq3A_13 = arith.cmpi eq, %arg0, %eq3A_12 : i32
    %and3A = arith.andi %eq3A_11, %eq3A_13 : i1
    %convert_element_type3A_14 = arith.extui %and3A : i1 to i32
    %cond3A_15 = arith.constant 0 : i32
    %cond3A_16 = arith.cmpi ne, %convert_element_type3A_14, %cond3A_15 : i32
    scf.if %cond3A_16 {
      "tpu.region"() ({
        %run_scoped3A_25 = tpu.sem_alloc : memref<!tpu.dma_semaphore, #tpu.memory_space<semaphore_mem>>
        tpu.enqueue_dma source(%arg9 : memref<10000xf32, #tpu.memory_space<vmem_shared>>) target(%arg5 : memref<10000xf32, #tpu.memory_space<hbm>>) target_semaphore(%run_scoped3A_25 : memref<!tpu.dma_semaphore, #tpu.memory_space<semaphore_mem>>)
        tpu.wait_dma2 semaphore(%run_scoped3A_25 : memref<!tpu.dma_semaphore, #tpu.memory_space<semaphore_mem>>) src(%arg9 : memref<10000xf32, #tpu.memory_space<vmem_shared>>) dst(%arg5 : memref<10000xf32, #tpu.memory_space<hbm>>)
        tpu.yield
      }) : () -> ()
    } else {
    }
    %eq3A_17 = arith.constant 0 : i32
    %eq3A_18 = arith.cmpi eq, %arg1, %eq3A_17 : i32
    %eq3A_19 = arith.constant 1 : i32
    %eq3A_20 = arith.cmpi eq, %arg0, %eq3A_19 : i32
    %and3A_21 = arith.andi %eq3A_18, %eq3A_20 : i1
    %convert_element_type3A_22 = arith.extui %and3A_21 : i1 to i32
    %cond3A_23 = arith.constant 0 : i32
    %cond3A_24 = arith.cmpi ne, %convert_element_type3A_22, %cond3A_23 : i32
    scf.if %cond3A_24 {
      "tpu.region"() ({
        %run_scoped3A_25 = tpu.sem_alloc : memref<!tpu.dma_semaphore, #tpu.memory_space<semaphore_mem>>
        tpu.enqueue_dma source(%arg9 : memref<10000xf32, #tpu.memory_space<vmem_shared>>) target(%arg6 : memref<10000xf32, #tpu.memory_space<hbm>>) target_semaphore(%run_scoped3A_25 : memref<!tpu.dma_semaphore, #tpu.memory_space<semaphore_mem>>)
        tpu.wait_dma2 semaphore(%run_scoped3A_25 : memref<!tpu.dma_semaphore, #tpu.memory_space<semaphore_mem>>) src(%arg9 : memref<10000xf32, #tpu.memory_space<vmem_shared>>) dst(%arg6 : memref<10000xf32, #tpu.memory_space<hbm>>)
        tpu.yield
      }) : () -> ()
    } else {
    }
    return
  }
}

#map = affine_map<(d0, d1) -> (0, 0, 0)>
#map1 = affine_map<(d0, d1) -> (0, 0)>
module attributes {stable_mosaic.version = 14 : i64} {
  func.func @_agg_kernel(%arg0: i32, %arg1: i32, %arg2: memref<2x10000x128xf32, #tpu.memory_space<hbm>>, %arg3: memref<2x1280x125xi32, #tpu.memory_space<hbm>>, %arg4: memref<2x10000x128xf32, #tpu.memory_space<hbm>>, %arg5: memref<10000x256xf32, #tpu.memory_space<hbm>>, %arg6: memref<80x125xi32, #tpu.memory_space<vmem>>, %arg7: memref<40x125xi32, #tpu.memory_space<vmem>>, %arg8: memref<125x128xf32, #tpu.memory_space<vmem>>, %arg9: memref<125x128xf32, #tpu.memory_space<vmem>>, %arg10: memref<10000x128xf32, #tpu.memory_space<vmem_shared>>, %arg11: memref<!tpu.dma_semaphore, #tpu.memory_space<semaphore_mem>>, %arg12: memref<!tpu.dma_semaphore, #tpu.memory_space<semaphore_mem>>, %arg13: memref<!tpu.dma_semaphore, #tpu.memory_space<semaphore_mem>>, %arg14: memref<!tpu.dma_semaphore, #tpu.memory_space<semaphore_mem>>) attributes {dimension_semantics = [#tpu.dimension_semantics<core_parallel>, #tpu.dimension_semantics<subcore_parallel>], iteration_bounds = array<i64: 2, 16>, scalar_prefetch = 0 : i64, scratch_operands = 9 : i64, tpu.core_type = #tpu.core_type<sc_vector_subcore>, window_params = [{transform_indices = #map}, {transform_indices = #map}, {transform_indices = #map}, {transform_indices = #map1}]} {
    %mul3A = arith.constant 624 : i32
    %mul3A_0 = arith.muli %arg1, %mul3A : i32
    %mul3A_1 = arith.constant 624 : i32
    %mul3A_2 = arith.muli %arg1, %mul3A_1 : i32
    "tpu.region"() ({
      %run_scoped3A_44 = tpu.sem_alloc : memref<!tpu.dma_semaphore, #tpu.memory_space<semaphore_mem>>
      %dma_start3A_45 = arith.constant 0 : i32
      %dma_start3A_46 = tpu.memref_slice %arg10[%mul3A_2, %dma_start3A_45] : memref<10000x128xf32, #tpu.memory_space<vmem_shared>> -> memref<624x128xf32, #tpu.memory_space<vmem_shared>>
      %dma_start3A_47 = arith.constant 0 : i32
      %dma_start3A_48 = arith.constant 0 : i32
      %dma_start3A_49 = tpu.memref_slice %arg4[%arg0, %dma_start3A_47, %dma_start3A_48] : memref<2x10000x128xf32, #tpu.memory_space<hbm>> -> memref<1x10000x128xf32, #tpu.memory_space<hbm>>
      %dma_start3A_50 = tpu.memref_squeeze %dma_start3A_49 : memref<1x10000x128xf32, #tpu.memory_space<hbm>> -> memref<10000x128xf32, #tpu.memory_space<hbm>>
      %dma_start3A_51 = arith.constant 0 : i32
      %dma_start3A_52 = tpu.memref_slice %dma_start3A_50[%mul3A_0, %dma_start3A_51] : memref<10000x128xf32, #tpu.memory_space<hbm>> -> memref<624x128xf32, #tpu.memory_space<hbm>>
      tpu.enqueue_dma source(%dma_start3A_52 : memref<624x128xf32, #tpu.memory_space<hbm>>) target(%dma_start3A_46 : memref<624x128xf32, #tpu.memory_space<vmem_shared>>) target_semaphore(%run_scoped3A_44 : memref<!tpu.dma_semaphore, #tpu.memory_space<semaphore_mem>>)
      %dma_wait3A = arith.constant 0 : i32
      %dma_wait3A_53 = tpu.memref_slice %arg10[%mul3A_2, %dma_wait3A] : memref<10000x128xf32, #tpu.memory_space<vmem_shared>> -> memref<624x128xf32, #tpu.memory_space<vmem_shared>>
      %dma_wait3A_54 = arith.constant 0 : i32
      %dma_wait3A_55 = arith.constant 0 : i32
      %dma_wait3A_56 = tpu.memref_slice %arg4[%arg0, %dma_wait3A_54, %dma_wait3A_55] : memref<2x10000x128xf32, #tpu.memory_space<hbm>> -> memref<1x10000x128xf32, #tpu.memory_space<hbm>>
      %dma_wait3A_57 = tpu.memref_squeeze %dma_wait3A_56 : memref<1x10000x128xf32, #tpu.memory_space<hbm>> -> memref<10000x128xf32, #tpu.memory_space<hbm>>
      %dma_wait3A_58 = arith.constant 0 : i32
      %dma_wait3A_59 = tpu.memref_slice %dma_wait3A_57[%mul3A_0, %dma_wait3A_58] : memref<10000x128xf32, #tpu.memory_space<hbm>> -> memref<624x128xf32, #tpu.memory_space<hbm>>
      tpu.wait_dma2 semaphore(%run_scoped3A_44 : memref<!tpu.dma_semaphore, #tpu.memory_space<semaphore_mem>>) src(%dma_wait3A_59 : memref<624x128xf32, #tpu.memory_space<hbm>>) dst(%dma_wait3A_53 : memref<624x128xf32, #tpu.memory_space<vmem_shared>>)
      tpu.yield
    }) : () -> ()
    %eq3A = arith.constant 15 : i32
    %eq3A_3 = arith.cmpi eq, %arg1, %eq3A : i32
    %convert_element_type3A = arith.extui %eq3A_3 : i1 to i32
    %cond3A = arith.constant 0 : i32
    %cond3A_4 = arith.cmpi ne, %convert_element_type3A, %cond3A : i32
    scf.if %cond3A_4 {
      "tpu.region"() ({
        %run_scoped3A_44 = tpu.sem_alloc : memref<!tpu.dma_semaphore, #tpu.memory_space<semaphore_mem>>
        %dma_start3A_45 = arith.constant 9984 : i32
        %dma_start3A_46 = arith.constant 0 : i32
        %dma_start3A_47 = tpu.memref_slice %arg10[%dma_start3A_45, %dma_start3A_46] : memref<10000x128xf32, #tpu.memory_space<vmem_shared>> -> memref<16x128xf32, #tpu.memory_space<vmem_shared>>
        %dma_start3A_48 = arith.constant 0 : i32
        %dma_start3A_49 = arith.constant 0 : i32
        %dma_start3A_50 = tpu.memref_slice %arg4[%arg0, %dma_start3A_48, %dma_start3A_49] : memref<2x10000x128xf32, #tpu.memory_space<hbm>> -> memref<1x10000x128xf32, #tpu.memory_space<hbm>>
        %dma_start3A_51 = tpu.memref_squeeze %dma_start3A_50 : memref<1x10000x128xf32, #tpu.memory_space<hbm>> -> memref<10000x128xf32, #tpu.memory_space<hbm>>
        %dma_start3A_52 = arith.constant 9984 : i32
        %dma_start3A_53 = arith.constant 0 : i32
        %dma_start3A_54 = tpu.memref_slice %dma_start3A_51[%dma_start3A_52, %dma_start3A_53] : memref<10000x128xf32, #tpu.memory_space<hbm>> -> memref<16x128xf32, #tpu.memory_space<hbm>>
        tpu.enqueue_dma source(%dma_start3A_54 : memref<16x128xf32, #tpu.memory_space<hbm>>) target(%dma_start3A_47 : memref<16x128xf32, #tpu.memory_space<vmem_shared>>) target_semaphore(%run_scoped3A_44 : memref<!tpu.dma_semaphore, #tpu.memory_space<semaphore_mem>>)
        %dma_wait3A = arith.constant 9984 : i32
        %dma_wait3A_55 = arith.constant 0 : i32
        %dma_wait3A_56 = tpu.memref_slice %arg10[%dma_wait3A, %dma_wait3A_55] : memref<10000x128xf32, #tpu.memory_space<vmem_shared>> -> memref<16x128xf32, #tpu.memory_space<vmem_shared>>
        %dma_wait3A_57 = arith.constant 0 : i32
        %dma_wait3A_58 = arith.constant 0 : i32
        %dma_wait3A_59 = tpu.memref_slice %arg4[%arg0, %dma_wait3A_57, %dma_wait3A_58] : memref<2x10000x128xf32, #tpu.memory_space<hbm>> -> memref<1x10000x128xf32, #tpu.memory_space<hbm>>
        %dma_wait3A_60 = tpu.memref_squeeze %dma_wait3A_59 : memref<1x10000x128xf32, #tpu.memory_space<hbm>> -> memref<10000x128xf32, #tpu.memory_space<hbm>>
        %dma_wait3A_61 = arith.constant 9984 : i32
        %dma_wait3A_62 = arith.constant 0 : i32
        %dma_wait3A_63 = tpu.memref_slice %dma_wait3A_60[%dma_wait3A_61, %dma_wait3A_62] : memref<10000x128xf32, #tpu.memory_space<hbm>> -> memref<16x128xf32, #tpu.memory_space<hbm>>
        tpu.wait_dma2 semaphore(%run_scoped3A_44 : memref<!tpu.dma_semaphore, #tpu.memory_space<semaphore_mem>>) src(%dma_wait3A_63 : memref<16x128xf32, #tpu.memory_space<hbm>>) dst(%dma_wait3A_56 : memref<16x128xf32, #tpu.memory_space<vmem_shared>>)
        tpu.yield
      }) : () -> ()
    } else {
    }
    %mul3A_5 = arith.constant 80 : i32
    %mul3A_6 = arith.muli %arg1, %mul3A_5 : i32
    %run_scoped3A = arith.constant 0 : i32
    "tpu.region"() ({
      %run_scoped3A_44 = tpu.sem_alloc : memref<!tpu.dma_semaphore, #tpu.memory_space<semaphore_mem>>
      %dma_start3A_45 = arith.constant 0 : i32
      %dma_start3A_46 = arith.constant 0 : i32
      %dma_start3A_47 = tpu.memref_slice %arg3[%run_scoped3A, %dma_start3A_45, %dma_start3A_46] : memref<2x1280x125xi32, #tpu.memory_space<hbm>> -> memref<1x1280x125xi32, #tpu.memory_space<hbm>>
      %dma_start3A_48 = tpu.memref_squeeze %dma_start3A_47 : memref<1x1280x125xi32, #tpu.memory_space<hbm>> -> memref<1280x125xi32, #tpu.memory_space<hbm>>
      %dma_start3A_49 = arith.constant 0 : i32
      %dma_start3A_50 = tpu.memref_slice %dma_start3A_48[%mul3A_6, %dma_start3A_49] : memref<1280x125xi32, #tpu.memory_space<hbm>> -> memref<80x125xi32, #tpu.memory_space<hbm>>
      %dma_start3A_51 = arith.constant 0 : i32
      %dma_start3A_52 = arith.constant 0 : i32
      %dma_start3A_53 = tpu.memref_slice %arg3[%run_scoped3A, %dma_start3A_51, %dma_start3A_52] : memref<2x1280x125xi32, #tpu.memory_space<hbm>> -> memref<1x1280x125xi32, #tpu.memory_space<hbm>>
      %dma_start3A_54 = tpu.memref_squeeze %dma_start3A_53 : memref<1x1280x125xi32, #tpu.memory_space<hbm>> -> memref<1280x125xi32, #tpu.memory_space<hbm>>
      %dma_start3A_55 = arith.constant 0 : i32
      %dma_start3A_56 = tpu.memref_slice %dma_start3A_54[%mul3A_6, %dma_start3A_55] : memref<1280x125xi32, #tpu.memory_space<hbm>> -> memref<80x125xi32, #tpu.memory_space<hbm>>
      tpu.enqueue_dma source(%dma_start3A_56 : memref<80x125xi32, #tpu.memory_space<hbm>>) target(%arg6 : memref<80x125xi32, #tpu.memory_space<vmem>>) target_semaphore(%run_scoped3A_44 : memref<!tpu.dma_semaphore, #tpu.memory_space<semaphore_mem>>)
      %dma_wait3A = arith.constant 0 : i32
      %dma_wait3A_57 = arith.constant 0 : i32
      %dma_wait3A_58 = tpu.memref_slice %arg3[%run_scoped3A, %dma_wait3A, %dma_wait3A_57] : memref<2x1280x125xi32, #tpu.memory_space<hbm>> -> memref<1x1280x125xi32, #tpu.memory_space<hbm>>
      %dma_wait3A_59 = tpu.memref_squeeze %dma_wait3A_58 : memref<1x1280x125xi32, #tpu.memory_space<hbm>> -> memref<1280x125xi32, #tpu.memory_space<hbm>>
      %dma_wait3A_60 = arith.constant 0 : i32
      %dma_wait3A_61 = tpu.memref_slice %dma_wait3A_59[%mul3A_6, %dma_wait3A_60] : memref<1280x125xi32, #tpu.memory_space<hbm>> -> memref<80x125xi32, #tpu.memory_space<hbm>>
      %dma_wait3A_62 = arith.constant 0 : i32
      %dma_wait3A_63 = arith.constant 0 : i32
      %dma_wait3A_64 = tpu.memref_slice %arg3[%run_scoped3A, %dma_wait3A_62, %dma_wait3A_63] : memref<2x1280x125xi32, #tpu.memory_space<hbm>> -> memref<1x1280x125xi32, #tpu.memory_space<hbm>>
      %dma_wait3A_65 = tpu.memref_squeeze %dma_wait3A_64 : memref<1x1280x125xi32, #tpu.memory_space<hbm>> -> memref<1280x125xi32, #tpu.memory_space<hbm>>
      %dma_wait3A_66 = arith.constant 0 : i32
      %dma_wait3A_67 = tpu.memref_slice %dma_wait3A_65[%mul3A_6, %dma_wait3A_66] : memref<1280x125xi32, #tpu.memory_space<hbm>> -> memref<80x125xi32, #tpu.memory_space<hbm>>
      tpu.wait_dma2 semaphore(%run_scoped3A_44 : memref<!tpu.dma_semaphore, #tpu.memory_space<semaphore_mem>>) src(%dma_wait3A_67 : memref<80x125xi32, #tpu.memory_space<hbm>>) dst(%arg6 : memref<80x125xi32, #tpu.memory_space<vmem>>)
      tpu.yield
    }) : () -> ()
    %barrier3A = arith.constant 0 : index
    tpu.barrier barrier_id(%barrier3A)
    %dma_start3A = arith.constant 0 : i32
    %dma_start3A_7 = arith.constant 0 : i32
    %dma_start3A_8 = tpu.memref_slice %arg6[%dma_start3A, %dma_start3A_7] : memref<80x125xi32, #tpu.memory_space<vmem>> -> memref<1x125xi32, #tpu.memory_space<vmem>>
    %dma_start3A_9 = tpu.memref_squeeze %dma_start3A_8 : memref<1x125xi32, #tpu.memory_space<vmem>> -> memref<125xi32, #tpu.memory_space<vmem>>
    %dma_start3A_10 = arith.constant 0 : i32
    %dma_start3A_11 = arith.constant 0 : i32
    %dma_start3A_12 = tpu.memref_slice %arg2[%arg0, %dma_start3A_10, %dma_start3A_11] : memref<2x10000x128xf32, #tpu.memory_space<hbm>> -> memref<1x10000x128xf32, #tpu.memory_space<hbm>>
    %dma_start3A_13 = tpu.memref_squeeze %dma_start3A_12 : memref<1x10000x128xf32, #tpu.memory_space<hbm>> -> memref<10000x128xf32, #tpu.memory_space<hbm>>
    %dma_start3A_14 = arith.constant 0 : i32
    %dma_start3A_15 = arith.constant 0 : i32
    %dma_start3A_16 = tpu.memref_slice %dma_start3A_13[%dma_start3A_14, %dma_start3A_15] : memref<10000x128xf32, #tpu.memory_space<hbm>> -> memref<10000x128xf32, #tpu.memory_space<hbm>>
    tpu.enqueue_indirect_dma source(%dma_start3A_16 : memref<10000x128xf32, #tpu.memory_space<hbm>>) target(%arg8 : memref<125x128xf32, #tpu.memory_space<vmem>>) offsets(%dma_start3A_9 : memref<125xi32, #tpu.memory_space<vmem>>) semaphore(%arg11 : memref<!tpu.dma_semaphore, #tpu.memory_space<semaphore_mem>>)
    %dma_start3A_17 = arith.constant 1 : i32
    %dma_start3A_18 = arith.constant 0 : i32
    %dma_start3A_19 = tpu.memref_slice %arg6[%dma_start3A_17, %dma_start3A_18] : memref<80x125xi32, #tpu.memory_space<vmem>> -> memref<1x125xi32, #tpu.memory_space<vmem>>
    %dma_start3A_20 = tpu.memref_squeeze %dma_start3A_19 : memref<1x125xi32, #tpu.memory_space<vmem>> -> memref<125xi32, #tpu.memory_space<vmem>>
    %dma_start3A_21 = arith.constant 0 : i32
    %dma_start3A_22 = arith.constant 0 : i32
    %dma_start3A_23 = tpu.memref_slice %arg2[%arg0, %dma_start3A_21, %dma_start3A_22] : memref<2x10000x128xf32, #tpu.memory_space<hbm>> -> memref<1x10000x128xf32, #tpu.memory_space<hbm>>
    %dma_start3A_24 = tpu.memref_squeeze %dma_start3A_23 : memref<1x10000x128xf32, #tpu.memory_space<hbm>> -> memref<10000x128xf32, #tpu.memory_space<hbm>>
    %dma_start3A_25 = arith.constant 0 : i32
    %dma_start3A_26 = arith.constant 0 : i32
    %dma_start3A_27 = tpu.memref_slice %dma_start3A_24[%dma_start3A_25, %dma_start3A_26] : memref<10000x128xf32, #tpu.memory_space<hbm>> -> memref<10000x128xf32, #tpu.memory_space<hbm>>
    tpu.enqueue_indirect_dma source(%dma_start3A_27 : memref<10000x128xf32, #tpu.memory_space<hbm>>) target(%arg9 : memref<125x128xf32, #tpu.memory_space<vmem>>) offsets(%dma_start3A_20 : memref<125xi32, #tpu.memory_space<vmem>>) semaphore(%arg12 : memref<!tpu.dma_semaphore, #tpu.memory_space<semaphore_mem>>)
    %scan3A = arith.constant 0 : i32
    %scan3A_28 = arith.constant 40 : i32
    %scan3A_29 = arith.addi %scan3A, %scan3A_28 : i32
    %scan3A_30 = arith.constant 1 : i32
    scf.for %scan3A_44 = %scan3A to %scan3A_29 step %scan3A_30  : i32 {
      %mul3A_45 = arith.constant 2 : i32
      %mul3A_46 = arith.muli %scan3A_44, %mul3A_45 : i32
      %add3A = arith.constant 0 : i32
      %add3A_47 = arith.addi %add3A, %mul3A_46 : i32
      %rem3A = arith.constant 40 : i32
      %rem3A_48 = arith.remsi %add3A_47, %rem3A : i32
      %eq3A_49 = arith.constant 0 : i32
      %eq3A_50 = arith.cmpi eq, %rem3A_48, %eq3A_49 : i32
      %convert_element_type3A_51 = arith.extui %eq3A_50 : i1 to i32
      %cond3A_52 = arith.constant 0 : i32
      %cond3A_53 = arith.cmpi ne, %convert_element_type3A_51, %cond3A_52 : i32
      scf.if %cond3A_53 {
        %mul3A_92 = arith.constant 80 : i32
        %mul3A_93 = arith.muli %arg1, %mul3A_92 : i32
        %add3A_94 = arith.addi %mul3A_93, %add3A_47 : i32
        %multiple_of3A = tpu.assume_multiple %add3A_94, 8 : i32
        %run_scoped3A_95 = arith.constant 1 : i32
        "tpu.region"() ({
          %run_scoped3A_96 = tpu.sem_alloc : memref<!tpu.dma_semaphore, #tpu.memory_space<semaphore_mem>>
          %dma_start3A_97 = arith.constant 0 : i32
          %dma_start3A_98 = arith.constant 0 : i32
          %dma_start3A_99 = tpu.memref_slice %arg3[%run_scoped3A_95, %dma_start3A_97, %dma_start3A_98] : memref<2x1280x125xi32, #tpu.memory_space<hbm>> -> memref<1x1280x125xi32, #tpu.memory_space<hbm>>
          %dma_start3A_100 = tpu.memref_squeeze %dma_start3A_99 : memref<1x1280x125xi32, #tpu.memory_space<hbm>> -> memref<1280x125xi32, #tpu.memory_space<hbm>>
          %dma_start3A_101 = arith.constant 0 : i32
          %dma_start3A_102 = tpu.memref_slice %dma_start3A_100[%multiple_of3A, %dma_start3A_101] : memref<1280x125xi32, #tpu.memory_space<hbm>> -> memref<40x125xi32, #tpu.memory_space<hbm>>
          %dma_start3A_103 = arith.constant 0 : i32
          %dma_start3A_104 = arith.constant 0 : i32
          %dma_start3A_105 = tpu.memref_slice %arg3[%run_scoped3A_95, %dma_start3A_103, %dma_start3A_104] : memref<2x1280x125xi32, #tpu.memory_space<hbm>> -> memref<1x1280x125xi32, #tpu.memory_space<hbm>>
          %dma_start3A_106 = tpu.memref_squeeze %dma_start3A_105 : memref<1x1280x125xi32, #tpu.memory_space<hbm>> -> memref<1280x125xi32, #tpu.memory_space<hbm>>
          %dma_start3A_107 = arith.constant 0 : i32
          %dma_start3A_108 = tpu.memref_slice %dma_start3A_106[%multiple_of3A, %dma_start3A_107] : memref<1280x125xi32, #tpu.memory_space<hbm>> -> memref<40x125xi32, #tpu.memory_space<hbm>>
          tpu.enqueue_dma source(%dma_start3A_108 : memref<40x125xi32, #tpu.memory_space<hbm>>) target(%arg7 : memref<40x125xi32, #tpu.memory_space<vmem>>) target_semaphore(%run_scoped3A_96 : memref<!tpu.dma_semaphore, #tpu.memory_space<semaphore_mem>>)
          %dma_wait3A_109 = arith.constant 0 : i32
          %dma_wait3A_110 = arith.constant 0 : i32
          %dma_wait3A_111 = tpu.memref_slice %arg3[%run_scoped3A_95, %dma_wait3A_109, %dma_wait3A_110] : memref<2x1280x125xi32, #tpu.memory_space<hbm>> -> memref<1x1280x125xi32, #tpu.memory_space<hbm>>
          %dma_wait3A_112 = tpu.memref_squeeze %dma_wait3A_111 : memref<1x1280x125xi32, #tpu.memory_space<hbm>> -> memref<1280x125xi32, #tpu.memory_space<hbm>>
          %dma_wait3A_113 = arith.constant 0 : i32
          %dma_wait3A_114 = tpu.memref_slice %dma_wait3A_112[%multiple_of3A, %dma_wait3A_113] : memref<1280x125xi32, #tpu.memory_space<hbm>> -> memref<40x125xi32, #tpu.memory_space<hbm>>
          %dma_wait3A_115 = arith.constant 0 : i32
          %dma_wait3A_116 = arith.constant 0 : i32
          %dma_wait3A_117 = tpu.memref_slice %arg3[%run_scoped3A_95, %dma_wait3A_115, %dma_wait3A_116] : memref<2x1280x125xi32, #tpu.memory_space<hbm>> -> memref<1x1280x125xi32, #tpu.memory_space<hbm>>
          %dma_wait3A_118 = tpu.memref_squeeze %dma_wait3A_117 : memref<1x1280x125xi32, #tpu.memory_space<hbm>> -> memref<1280x125xi32, #tpu.memory_space<hbm>>
          %dma_wait3A_119 = arith.constant 0 : i32
          %dma_wait3A_120 = tpu.memref_slice %dma_wait3A_118[%multiple_of3A, %dma_wait3A_119] : memref<1280x125xi32, #tpu.memory_space<hbm>> -> memref<40x125xi32, #tpu.memory_space<hbm>>
          tpu.wait_dma2 semaphore(%run_scoped3A_96 : memref<!tpu.dma_semaphore, #tpu.memory_space<semaphore_mem>>) src(%dma_wait3A_120 : memref<40x125xi32, #tpu.memory_space<hbm>>) dst(%arg7 : memref<40x125xi32, #tpu.memory_space<vmem>>)
          tpu.yield
        }) : () -> ()
      } else {
      }
      %rem3A_54 = arith.constant 40 : i32
      %rem3A_55 = arith.remsi %add3A_47, %rem3A_54 : i32
      %dma_wait3A = arith.constant 0 : i32
      %dma_wait3A_56 = tpu.memref_slice %arg6[%add3A_47, %dma_wait3A] : memref<80x125xi32, #tpu.memory_space<vmem>> -> memref<1x125xi32, #tpu.memory_space<vmem>>
      %dma_wait3A_57 = tpu.memref_squeeze %dma_wait3A_56 : memref<1x125xi32, #tpu.memory_space<vmem>> -> memref<125xi32, #tpu.memory_space<vmem>>
      %dma_wait3A_58 = arith.constant 0 : i32
      %dma_wait3A_59 = arith.constant 0 : i32
      %dma_wait3A_60 = tpu.memref_slice %arg2[%arg0, %dma_wait3A_58, %dma_wait3A_59] : memref<2x10000x128xf32, #tpu.memory_space<hbm>> -> memref<1x10000x128xf32, #tpu.memory_space<hbm>>
      %dma_wait3A_61 = tpu.memref_squeeze %dma_wait3A_60 : memref<1x10000x128xf32, #tpu.memory_space<hbm>> -> memref<10000x128xf32, #tpu.memory_space<hbm>>
      %dma_wait3A_62 = arith.constant 0 : i32
      %dma_wait3A_63 = arith.constant 0 : i32
      %dma_wait3A_64 = tpu.memref_slice %dma_wait3A_61[%dma_wait3A_62, %dma_wait3A_63] : memref<10000x128xf32, #tpu.memory_space<hbm>> -> memref<10000x128xf32, #tpu.memory_space<hbm>>
      tpu.wait_indirect_dma semaphore(%arg11 : memref<!tpu.dma_semaphore, #tpu.memory_space<semaphore_mem>>) src(%dma_wait3A_64 : memref<10000x128xf32, #tpu.memory_space<hbm>>) dst(%arg8 : memref<125x128xf32, #tpu.memory_space<vmem>>)
      "tpu.region"() ({
        %run_scoped3A_92 = tpu.sem_alloc : memref<!tpu.dma_semaphore, #tpu.memory_space<semaphore_mem>>
        %dma_start3A_93 = arith.constant 0 : i32
        %dma_start3A_94 = tpu.memref_slice %arg7[%rem3A_55, %dma_start3A_93] : memref<40x125xi32, #tpu.memory_space<vmem>> -> memref<1x125xi32, #tpu.memory_space<vmem>>
        %dma_start3A_95 = tpu.memref_squeeze %dma_start3A_94 : memref<1x125xi32, #tpu.memory_space<vmem>> -> memref<125xi32, #tpu.memory_space<vmem>>
        %dma_start3A_96 = arith.constant 0 : i32
        %dma_start3A_97 = arith.constant 0 : i32
        %dma_start3A_98 = tpu.memref_slice %arg10[%dma_start3A_96, %dma_start3A_97] : memref<10000x128xf32, #tpu.memory_space<vmem_shared>> -> memref<10000x128xf32, #tpu.memory_space<vmem_shared>>
        tpu.enqueue_indirect_dma source(%arg8 : memref<125x128xf32, #tpu.memory_space<vmem>>) target(%dma_start3A_98 : memref<10000x128xf32, #tpu.memory_space<vmem_shared>>) offsets(%dma_start3A_95 : memref<125xi32, #tpu.memory_space<vmem>>) semaphore(%run_scoped3A_92 : memref<!tpu.dma_semaphore, #tpu.memory_space<semaphore_mem>>) {add = true}
        %dma_wait3A_99 = arith.constant 0 : i32
        %dma_wait3A_100 = tpu.memref_slice %arg7[%rem3A_55, %dma_wait3A_99] : memref<40x125xi32, #tpu.memory_space<vmem>> -> memref<1x125xi32, #tpu.memory_space<vmem>>
        %dma_wait3A_101 = tpu.memref_squeeze %dma_wait3A_100 : memref<1x125xi32, #tpu.memory_space<vmem>> -> memref<125xi32, #tpu.memory_space<vmem>>
        %dma_wait3A_102 = arith.constant 0 : i32
        %dma_wait3A_103 = arith.constant 0 : i32
        %dma_wait3A_104 = tpu.memref_slice %arg10[%dma_wait3A_102, %dma_wait3A_103] : memref<10000x128xf32, #tpu.memory_space<vmem_shared>> -> memref<10000x128xf32, #tpu.memory_space<vmem_shared>>
        tpu.wait_indirect_dma semaphore(%run_scoped3A_92 : memref<!tpu.dma_semaphore, #tpu.memory_space<semaphore_mem>>) src(%arg8 : memref<125x128xf32, #tpu.memory_space<vmem>>) dst(%dma_wait3A_104 : memref<10000x128xf32, #tpu.memory_space<vmem_shared>>)
        tpu.yield
      }) : () -> ()
      %add3A_65 = arith.constant 2 : i32
      %add3A_66 = arith.addi %add3A_47, %add3A_65 : i32
      %lt3A = arith.constant 80 : i32
      %lt3A_67 = arith.cmpi slt, %add3A_66, %lt3A : i32
      %convert_element_type3A_68 = arith.extui %lt3A_67 : i1 to i32
      %cond3A_69 = arith.constant 0 : i32
      %cond3A_70 = arith.cmpi ne, %convert_element_type3A_68, %cond3A_69 : i32
      scf.if %cond3A_70 {
        %add3A_92 = arith.constant 2 : i32
        %add3A_93 = arith.addi %add3A_47, %add3A_92 : i32
        %dma_start3A_94 = arith.constant 0 : i32
        %dma_start3A_95 = tpu.memref_slice %arg6[%add3A_93, %dma_start3A_94] : memref<80x125xi32, #tpu.memory_space<vmem>> -> memref<1x125xi32, #tpu.memory_space<vmem>>
        %dma_start3A_96 = tpu.memref_squeeze %dma_start3A_95 : memref<1x125xi32, #tpu.memory_space<vmem>> -> memref<125xi32, #tpu.memory_space<vmem>>
        %dma_start3A_97 = arith.constant 0 : i32
        %dma_start3A_98 = arith.constant 0 : i32
        %dma_start3A_99 = tpu.memref_slice %arg2[%arg0, %dma_start3A_97, %dma_start3A_98] : memref<2x10000x128xf32, #tpu.memory_space<hbm>> -> memref<1x10000x128xf32, #tpu.memory_space<hbm>>
        %dma_start3A_100 = tpu.memref_squeeze %dma_start3A_99 : memref<1x10000x128xf32, #tpu.memory_space<hbm>> -> memref<10000x128xf32, #tpu.memory_space<hbm>>
        %dma_start3A_101 = arith.constant 0 : i32
        %dma_start3A_102 = arith.constant 0 : i32
        %dma_start3A_103 = tpu.memref_slice %dma_start3A_100[%dma_start3A_101, %dma_start3A_102] : memref<10000x128xf32, #tpu.memory_space<hbm>> -> memref<10000x128xf32, #tpu.memory_space<hbm>>
        tpu.enqueue_indirect_dma source(%dma_start3A_103 : memref<10000x128xf32, #tpu.memory_space<hbm>>) target(%arg8 : memref<125x128xf32, #tpu.memory_space<vmem>>) offsets(%dma_start3A_96 : memref<125xi32, #tpu.memory_space<vmem>>) semaphore(%arg11 : memref<!tpu.dma_semaphore, #tpu.memory_space<semaphore_mem>>)
      } else {
      }
      %add3A_71 = arith.constant 1 : i32
      %add3A_72 = arith.addi %add3A_47, %add3A_71 : i32
      %dma_wait3A_73 = arith.constant 0 : i32
      %dma_wait3A_74 = tpu.memref_slice %arg6[%add3A_72, %dma_wait3A_73] : memref<80x125xi32, #tpu.memory_space<vmem>> -> memref<1x125xi32, #tpu.memory_space<vmem>>
      %dma_wait3A_75 = tpu.memref_squeeze %dma_wait3A_74 : memref<1x125xi32, #tpu.memory_space<vmem>> -> memref<125xi32, #tpu.memory_space<vmem>>
      %dma_wait3A_76 = arith.constant 0 : i32
      %dma_wait3A_77 = arith.constant 0 : i32
      %dma_wait3A_78 = tpu.memref_slice %arg2[%arg0, %dma_wait3A_76, %dma_wait3A_77] : memref<2x10000x128xf32, #tpu.memory_space<hbm>> -> memref<1x10000x128xf32, #tpu.memory_space<hbm>>
      %dma_wait3A_79 = tpu.memref_squeeze %dma_wait3A_78 : memref<1x10000x128xf32, #tpu.memory_space<hbm>> -> memref<10000x128xf32, #tpu.memory_space<hbm>>
      %dma_wait3A_80 = arith.constant 0 : i32
      %dma_wait3A_81 = arith.constant 0 : i32
      %dma_wait3A_82 = tpu.memref_slice %dma_wait3A_79[%dma_wait3A_80, %dma_wait3A_81] : memref<10000x128xf32, #tpu.memory_space<hbm>> -> memref<10000x128xf32, #tpu.memory_space<hbm>>
      tpu.wait_indirect_dma semaphore(%arg12 : memref<!tpu.dma_semaphore, #tpu.memory_space<semaphore_mem>>) src(%dma_wait3A_82 : memref<10000x128xf32, #tpu.memory_space<hbm>>) dst(%arg9 : memref<125x128xf32, #tpu.memory_space<vmem>>)
      %add3A_83 = arith.constant 1 : i32
      %add3A_84 = arith.addi %rem3A_55, %add3A_83 : i32
      "tpu.region"() ({
        %run_scoped3A_92 = tpu.sem_alloc : memref<!tpu.dma_semaphore, #tpu.memory_space<semaphore_mem>>
        %dma_start3A_93 = arith.constant 0 : i32
        %dma_start3A_94 = tpu.memref_slice %arg7[%add3A_84, %dma_start3A_93] : memref<40x125xi32, #tpu.memory_space<vmem>> -> memref<1x125xi32, #tpu.memory_space<vmem>>
        %dma_start3A_95 = tpu.memref_squeeze %dma_start3A_94 : memref<1x125xi32, #tpu.memory_space<vmem>> -> memref<125xi32, #tpu.memory_space<vmem>>
        %dma_start3A_96 = arith.constant 0 : i32
        %dma_start3A_97 = arith.constant 0 : i32
        %dma_start3A_98 = tpu.memref_slice %arg10[%dma_start3A_96, %dma_start3A_97] : memref<10000x128xf32, #tpu.memory_space<vmem_shared>> -> memref<10000x128xf32, #tpu.memory_space<vmem_shared>>
        tpu.enqueue_indirect_dma source(%arg9 : memref<125x128xf32, #tpu.memory_space<vmem>>) target(%dma_start3A_98 : memref<10000x128xf32, #tpu.memory_space<vmem_shared>>) offsets(%dma_start3A_95 : memref<125xi32, #tpu.memory_space<vmem>>) semaphore(%run_scoped3A_92 : memref<!tpu.dma_semaphore, #tpu.memory_space<semaphore_mem>>) {add = true}
        %dma_wait3A_99 = arith.constant 0 : i32
        %dma_wait3A_100 = tpu.memref_slice %arg7[%add3A_84, %dma_wait3A_99] : memref<40x125xi32, #tpu.memory_space<vmem>> -> memref<1x125xi32, #tpu.memory_space<vmem>>
        %dma_wait3A_101 = tpu.memref_squeeze %dma_wait3A_100 : memref<1x125xi32, #tpu.memory_space<vmem>> -> memref<125xi32, #tpu.memory_space<vmem>>
        %dma_wait3A_102 = arith.constant 0 : i32
        %dma_wait3A_103 = arith.constant 0 : i32
        %dma_wait3A_104 = tpu.memref_slice %arg10[%dma_wait3A_102, %dma_wait3A_103] : memref<10000x128xf32, #tpu.memory_space<vmem_shared>> -> memref<10000x128xf32, #tpu.memory_space<vmem_shared>>
        tpu.wait_indirect_dma semaphore(%run_scoped3A_92 : memref<!tpu.dma_semaphore, #tpu.memory_space<semaphore_mem>>) src(%arg9 : memref<125x128xf32, #tpu.memory_space<vmem>>) dst(%dma_wait3A_104 : memref<10000x128xf32, #tpu.memory_space<vmem_shared>>)
        tpu.yield
      }) : () -> ()
      %add3A_85 = arith.constant 3 : i32
      %add3A_86 = arith.addi %add3A_47, %add3A_85 : i32
      %lt3A_87 = arith.constant 80 : i32
      %lt3A_88 = arith.cmpi slt, %add3A_86, %lt3A_87 : i32
      %convert_element_type3A_89 = arith.extui %lt3A_88 : i1 to i32
      %cond3A_90 = arith.constant 0 : i32
      %cond3A_91 = arith.cmpi ne, %convert_element_type3A_89, %cond3A_90 : i32
      scf.if %cond3A_91 {
        %add3A_92 = arith.constant 3 : i32
        %add3A_93 = arith.addi %add3A_47, %add3A_92 : i32
        %dma_start3A_94 = arith.constant 0 : i32
        %dma_start3A_95 = tpu.memref_slice %arg6[%add3A_93, %dma_start3A_94] : memref<80x125xi32, #tpu.memory_space<vmem>> -> memref<1x125xi32, #tpu.memory_space<vmem>>
        %dma_start3A_96 = tpu.memref_squeeze %dma_start3A_95 : memref<1x125xi32, #tpu.memory_space<vmem>> -> memref<125xi32, #tpu.memory_space<vmem>>
        %dma_start3A_97 = arith.constant 0 : i32
        %dma_start3A_98 = arith.constant 0 : i32
        %dma_start3A_99 = tpu.memref_slice %arg2[%arg0, %dma_start3A_97, %dma_start3A_98] : memref<2x10000x128xf32, #tpu.memory_space<hbm>> -> memref<1x10000x128xf32, #tpu.memory_space<hbm>>
        %dma_start3A_100 = tpu.memref_squeeze %dma_start3A_99 : memref<1x10000x128xf32, #tpu.memory_space<hbm>> -> memref<10000x128xf32, #tpu.memory_space<hbm>>
        %dma_start3A_101 = arith.constant 0 : i32
        %dma_start3A_102 = arith.constant 0 : i32
        %dma_start3A_103 = tpu.memref_slice %dma_start3A_100[%dma_start3A_101, %dma_start3A_102] : memref<10000x128xf32, #tpu.memory_space<hbm>> -> memref<10000x128xf32, #tpu.memory_space<hbm>>
        tpu.enqueue_indirect_dma source(%dma_start3A_103 : memref<10000x128xf32, #tpu.memory_space<hbm>>) target(%arg9 : memref<125x128xf32, #tpu.memory_space<vmem>>) offsets(%dma_start3A_96 : memref<125xi32, #tpu.memory_space<vmem>>) semaphore(%arg12 : memref<!tpu.dma_semaphore, #tpu.memory_space<semaphore_mem>>)
      } else {
      }
    }
    %scan3A_31 = arith.constant 40 : i32
    %barrier3A_32 = arith.constant 0 : index
    tpu.barrier barrier_id(%barrier3A_32)
    %mul3A_33 = arith.constant 624 : i32
    %mul3A_34 = arith.muli %arg1, %mul3A_33 : i32
    %mul3A_35 = arith.constant 624 : i32
    %mul3A_36 = arith.muli %arg1, %mul3A_35 : i32
    %mul3A_37 = arith.constant 128 : i32
    %mul3A_38 = arith.muli %arg0, %mul3A_37 : i32
    "tpu.region"() ({
      %run_scoped3A_44 = tpu.sem_alloc : memref<!tpu.dma_semaphore, #tpu.memory_space<semaphore_mem>>
      %dma_start3A_45 = tpu.memref_slice %arg5[%mul3A_36, %mul3A_38] : memref<10000x256xf32, #tpu.memory_space<hbm>> -> memref<624x128xf32, #tpu.memory_space<hbm>>
      %dma_start3A_46 = arith.constant 0 : i32
      %dma_start3A_47 = tpu.memref_slice %arg10[%mul3A_34, %dma_start3A_46] : memref<10000x128xf32, #tpu.memory_space<vmem_shared>> -> memref<624x128xf32, #tpu.memory_space<vmem_shared>>
      tpu.enqueue_dma source(%dma_start3A_47 : memref<624x128xf32, #tpu.memory_space<vmem_shared>>) target(%dma_start3A_45 : memref<624x128xf32, #tpu.memory_space<hbm>>) target_semaphore(%run_scoped3A_44 : memref<!tpu.dma_semaphore, #tpu.memory_space<semaphore_mem>>)
      %dma_wait3A = tpu.memref_slice %arg5[%mul3A_36, %mul3A_38] : memref<10000x256xf32, #tpu.memory_space<hbm>> -> memref<624x128xf32, #tpu.memory_space<hbm>>
      %dma_wait3A_48 = arith.constant 0 : i32
      %dma_wait3A_49 = tpu.memref_slice %arg10[%mul3A_34, %dma_wait3A_48] : memref<10000x128xf32, #tpu.memory_space<vmem_shared>> -> memref<624x128xf32, #tpu.memory_space<vmem_shared>>
      tpu.wait_dma2 semaphore(%run_scoped3A_44 : memref<!tpu.dma_semaphore, #tpu.memory_space<semaphore_mem>>) src(%dma_wait3A_49 : memref<624x128xf32, #tpu.memory_space<vmem_shared>>) dst(%dma_wait3A : memref<624x128xf32, #tpu.memory_space<hbm>>)
      tpu.yield
    }) : () -> ()
    %eq3A_39 = arith.constant 15 : i32
    %eq3A_40 = arith.cmpi eq, %arg1, %eq3A_39 : i32
    %convert_element_type3A_41 = arith.extui %eq3A_40 : i1 to i32
    %cond3A_42 = arith.constant 0 : i32
    %cond3A_43 = arith.cmpi ne, %convert_element_type3A_41, %cond3A_42 : i32
    scf.if %cond3A_43 {
      %mul3A_44 = arith.constant 128 : i32
      %mul3A_45 = arith.muli %arg0, %mul3A_44 : i32
      "tpu.region"() ({
        %run_scoped3A_46 = tpu.sem_alloc : memref<!tpu.dma_semaphore, #tpu.memory_space<semaphore_mem>>
        %dma_start3A_47 = arith.constant 9984 : i32
        %dma_start3A_48 = tpu.memref_slice %arg5[%dma_start3A_47, %mul3A_45] : memref<10000x256xf32, #tpu.memory_space<hbm>> -> memref<16x128xf32, #tpu.memory_space<hbm>>
        %dma_start3A_49 = arith.constant 9984 : i32
        %dma_start3A_50 = arith.constant 0 : i32
        %dma_start3A_51 = tpu.memref_slice %arg10[%dma_start3A_49, %dma_start3A_50] : memref<10000x128xf32, #tpu.memory_space<vmem_shared>> -> memref<16x128xf32, #tpu.memory_space<vmem_shared>>
        tpu.enqueue_dma source(%dma_start3A_51 : memref<16x128xf32, #tpu.memory_space<vmem_shared>>) target(%dma_start3A_48 : memref<16x128xf32, #tpu.memory_space<hbm>>) target_semaphore(%run_scoped3A_46 : memref<!tpu.dma_semaphore, #tpu.memory_space<semaphore_mem>>)
        %dma_wait3A = arith.constant 9984 : i32
        %dma_wait3A_52 = tpu.memref_slice %arg5[%dma_wait3A, %mul3A_45] : memref<10000x256xf32, #tpu.memory_space<hbm>> -> memref<16x128xf32, #tpu.memory_space<hbm>>
        %dma_wait3A_53 = arith.constant 9984 : i32
        %dma_wait3A_54 = arith.constant 0 : i32
        %dma_wait3A_55 = tpu.memref_slice %arg10[%dma_wait3A_53, %dma_wait3A_54] : memref<10000x128xf32, #tpu.memory_space<vmem_shared>> -> memref<16x128xf32, #tpu.memory_space<vmem_shared>>
        tpu.wait_dma2 semaphore(%run_scoped3A_46 : memref<!tpu.dma_semaphore, #tpu.memory_space<semaphore_mem>>) src(%dma_wait3A_55 : memref<16x128xf32, #tpu.memory_space<vmem_shared>>) dst(%dma_wait3A_52 : memref<16x128xf32, #tpu.memory_space<hbm>>)
        tpu.yield
      }) : () -> ()
    } else {
    }
    return
  }
}

module attributes {stable_mosaic.version = 14 : i64} {
  func.func @_tc_body(%arg0: i32, %arg1: memref<2000x256xf32, #tpu.memory_space<vmem>>, %arg2: memref<256x256xf32, #tpu.memory_space<vmem>>, %arg3: memref<2000x1xf32, #tpu.memory_space<vmem>>, %arg4: memref<2x2000x128xf32, #tpu.memory_space<vmem>>) attributes {dimension_semantics = [#tpu.dimension_semantics<arbitrary>], iteration_bounds = array<i64: 5>, scalar_prefetch = 0 : i64, scratch_operands = 0 : i64, tpu.core_type = #tpu.core_type<tc>, window_params = [{transform_indices = @transform_0, window_bounds = array<i64: 2000, 256>}, {pipeline_mode = #tpu.pipeline_mode<synchronous>, transform_indices = @transform_1, window_bounds = array<i64: 256, 256>}, {transform_indices = @transform_2, window_bounds = array<i64: 2000, 1>}, {transform_indices = @transform_3, window_bounds = array<i64: 2, 2000, 128>}]} {
    %get3A = arith.constant 0 : index
    %get3A_0 = arith.constant 0 : index
    %get3A_1 = vector.load %arg3[%get3A, %get3A_0] : memref<2000x1xf32, #tpu.memory_space<vmem>>, vector<2000x1xf32>
    %add3A = arith.constant 1.000000e+00 : f32
    %add3A_2 = vector.broadcast %add3A : f32 to vector<2000x1xf32>
    %add3A_3 = arith.addf %get3A_1, %add3A_2 : vector<2000x1xf32>
    %rsqrt3A = math.rsqrt %add3A_3 : vector<2000x1xf32>
    %get3A_4 = arith.constant 0 : index
    %get3A_5 = arith.constant 0 : index
    %get3A_6 = vector.load %arg1[%get3A_4, %get3A_5] : memref<2000x256xf32, #tpu.memory_space<vmem>>, vector<2000x256xf32>
    %convert_element_type3A = arith.truncf %get3A_6 : vector<2000x256xf32> to vector<2000x256xbf16>
    %get3A_7 = arith.constant 0 : index
    %get3A_8 = arith.constant 0 : index
    %get3A_9 = vector.load %arg2[%get3A_7, %get3A_8] : memref<256x256xf32, #tpu.memory_space<vmem>>, vector<256x256xf32>
    %convert_element_type3A_10 = arith.truncf %get3A_9 : vector<256x256xf32> to vector<256x256xbf16>
    %dot_general3A = arith.constant dense<0.000000e+00> : vector<2000x256xf32>
    %dot_general3A_11 = tpu.matmul %convert_element_type3A, %convert_element_type3A_10, %dot_general3A {dimension_numbers = #tpu.dot_dimension_numbers<[1], [0], [0], [1], [0, 0, 1, 1], [], []>, transpose_lhs_hint = false} : vector<2000x256xbf16>, vector<256x256xbf16>, vector<2000x256xf32> -> vector<2000x256xf32>
    %mul3A = vector.broadcast %rsqrt3A : vector<2000x1xf32> to vector<2000x256xf32>
    %mul3A_12 = arith.mulf %dot_general3A_11, %mul3A : vector<2000x256xf32>
    %slice3A = vector.extract_strided_slice %mul3A_12 {offsets = [0, 0], sizes = [2000, 128], strides = [1, 1]} : vector<2000x256xf32> to vector<2000x128xf32>
    %swap3A = arith.constant 0 : index
    %swap3A_13 = arith.constant 0 : index
    %swap3A_14 = arith.constant 0 : index
    %swap3A_15 = vector.load %arg4[%swap3A, %swap3A_13, %swap3A_14] : memref<2x2000x128xf32, #tpu.memory_space<vmem>>, vector<1x2000x128xf32>
    %swap3A_16 = vector.shape_cast %swap3A_15 : vector<1x2000x128xf32> to vector<2000x128xf32>
    %swap3A_17 = vector.shape_cast %slice3A : vector<2000x128xf32> to vector<1x2000x128xf32>
    tpu.vector_store %arg4[%swap3A, %swap3A_13, %swap3A_14], %swap3A_17 {strides = array<i32>} : memref<2x2000x128xf32, #tpu.memory_space<vmem>>, vector<1x2000x128xf32>,
    %slice3A_18 = vector.extract_strided_slice %mul3A_12 {offsets = [0, 128], sizes = [2000, 128], strides = [1, 1]} : vector<2000x256xf32> to vector<2000x128xf32>
    %swap3A_19 = arith.constant 1 : index
    %swap3A_20 = arith.constant 0 : index
    %swap3A_21 = arith.constant 0 : index
    %swap3A_22 = vector.load %arg4[%swap3A_19, %swap3A_20, %swap3A_21] : memref<2x2000x128xf32, #tpu.memory_space<vmem>>, vector<1x2000x128xf32>
    %swap3A_23 = vector.shape_cast %swap3A_22 : vector<1x2000x128xf32> to vector<2000x128xf32>
    %swap3A_24 = vector.shape_cast %slice3A_18 : vector<2000x128xf32> to vector<1x2000x128xf32>
    tpu.vector_store %arg4[%swap3A_19, %swap3A_20, %swap3A_21], %swap3A_24 {strides = array<i32>} : memref<2x2000x128xf32, #tpu.memory_space<vmem>>, vector<1x2000x128xf32>,
    return
  }
  func.func @transform_0(%arg0: i32) -> (i32, i32) {
    %c0_i32 = arith.constant 0 : i32
    %c0_i32_0 = arith.constant 0 : i32
    return %arg0, %c0_i32 : i32, i32
  }
  func.func @transform_1(%arg0: i32) -> (i32, i32) {
    %c0_i32 = arith.constant 0 : i32
    %c0_i32_0 = arith.constant 0 : i32
    %c0_i32_1 = arith.constant 0 : i32
    return %c0_i32, %c0_i32_0 : i32, i32
  }
  func.func @transform_2(%arg0: i32) -> (i32, i32) {
    %c0_i32 = arith.constant 0 : i32
    %c0_i32_0 = arith.constant 0 : i32
    return %arg0, %c0_i32 : i32, i32
  }
  func.func @transform_3(%arg0: i32) -> (i32, i32, i32) {
    %c0_i32 = arith.constant 0 : i32
    %c0_i32_0 = arith.constant 0 : i32
    %c0_i32_1 = arith.constant 0 : i32
    return %c0_i32, %arg0, %c0_i32_0 : i32, i32, i32
  }
}

</mosaic_0001>

<sc_bundles>
// kernel: kernel.5.cloned.1.call-start
scs
__scs_entry_jumppad:
0x0: {  	(pc) =	sbr.rel $0x88, $3  }
0x1: {  	(tag) =	ssettag $0x0;
	lr =	simm.s32 $0x1  }
0x2: {  	[smem:$0x3F9D] =	sst lr;
	_ =	strace $0xD0000000  }
0x3: {  	_ = 	snop  }
0x4: {  	_ = 	snop  }
0x5: {  	_ = 	snop  }
0x6: {  	_ = 	snop  }
0x7: {  	_ = 	snop  }
__scs_overlays_trampoline_lowered:
0x8: {  	[smem:$0x3FAC] =	sst s0  }
0x9: {  	[smem:$0x3FAD] =	sst s1  }
0xa: {  	[smem:$0x3FAE] =	sst s2  }
0xb: {  	[smem:$0x3FAF] =	sst s3  }
0xc: {  	[smem:$0x3FB0] =	sst s4  }
0xd: {  	[smem:$0x3FB1] =	sst s5  }
0xe: {  	[smem:$0x3FB2] =	sst s6  }
0xf: {  	[smem:$0x3FB3] =	sst s7  }
0x10: {  	[smem:$0x3FB4] =	sst s8  }
0x11: {  	[smem:$0x3FB5] =	sst s9;
	s0 =	simm.s32 @!p0 $0x0  }
0x12: {  	s1 =	sld [smem:$0x3F9B];
	s0 =	simm.s32 @p0 $0x1  }
0x13: {  	[smem:$0x3FB6] =	sst s0;
	s0 =	simm.s32 @!p1 $0x0  }
0x14: {  	s2 =	sld [smem:$0x3F9A];
	s0 =	simm.s32 @p1 $0x1  }
0x15: {  	[smem:$0x3FB7] =	sst s0;
	s0 =	simm.s32 @!p2 $0x0  }
0x16: {  	s3 =	sld [smem:$0x3FDB];
	s0 =	simm.s32 @p2 $0x1  }
0x17: {  	s4 =	simm.s32 $0x1BF5;
	[smem:$0x3FB9] =	sst s0  }
0x18: {  	s0 =	sld [smem:$0x3F9C];
	_ =	swait.ge [sflag:s4], $0x0  }
0x19: {  	s7 =	sld [smem:$0x3F9D]  }
0x1a: {  	s8 =	sadd.s32 $0xFFFFE003, lr  }
0x1b: {  	s9 =	sadd.s32 $0xFFFFFEF7, lr;
	s5 =	simm.s32 $0xFFFFFFFF;
	p2 =	slt.u32 s8, $0xFFFFF086  }
0x1c: {  	p1 =	slt.u32 s9, $0xF7A;
	s5 =	simm.s32 @!p2 $0x0  }
0x1d: {  	s5 =	simm.s32 @p1 $0x1;
	p0 =	seq.s32 s7, s2  }
0x1e: {  	s7 =	smul.u32 @!p0 $0xF7A, s2;
	p2 =	seq.s32 @!p0 s5, $0x0  }
0x1f: {  	s9 =	smul.u32 $0xF7A, s1;
	s8 =	simm.s32 @!p0 $0x1BF5;
	p2 =	por !p2, p0  }
0x20: {  	[sflag:s8] =	ssyncset.s32 @!p0 $0xFFFFF086;
	s6 =	sadd.s32 @!p0 s3, s7;
	s7 =	simm.s32 @!p0 $0x108  }
0x21: {  	s3 =	sadd.s32 s3, s9;
	s6 =	sadd.s32 @!p0 $0x88, s6;
	s7 =	simm.s32 @p2 $0x1082  }
0x22: {  	[simem:s7], [sflag:s8] =	dma.local @!p0 [hbm:s6], $0xF7A  }
0x23: {  	s9 =	sor.u32 $0xD0000000, s2;
	s6 =	simm.s32 $0x108;
	_ =	swait.ge @!p0 [sflag:s8], $0x0  }
0x24: {  	s3 =	sadd.s32 $0x88, s3;
	s6 =	simm.s32 @!p1 $0x1082;
	[sflag:s4] =	ssyncset.s32 $0xFFFFF086  }
0x25: {  	[simem:s6], [sflag:s4] =	dma.local [hbm:s3], $0xF7A  }
0x26: {  	[smem:$0x3F9D] =	sst s1;
	(tag) =	ssettag s2;
	_ =	strace s9  }
0x27: {  	s1 =	sld [smem:$0x3FAD]  }
0x28: {  	s2 =	sld [smem:$0x3FAE]  }
0x29: {  	s4 =	sld [smem:$0x3FB0]  }
0x2a: {  	p0 =	seq.s32 s5, $0x0;
	s5 =	sld [smem:$0x3FB1]  }
0x2b: {  	s6 =	sld [smem:$0x3FB2]  }
0x2c: {  	s7 =	sld [smem:$0x3FB3]  }
0x2d: {  	s3 =	simm.s32 $0x108;
	s8 =	sld [smem:$0x3FB4]  }
0x2e: {  	s3 =	simm.s32 @!p0 $0x1082;
	s9 =	sld [smem:$0x3FB5]  }
0x2f: {  	lr =	sadd.s32 s0, s3;
	s0 =	sld [smem:$0x3FAC]  }
0x30: {  	s3 =	sld [smem:$0x3FAF]  }
0x31: {  	[smem:$0x3FB8] =	sst s10  }
0x32: {  	s10 =	sld [smem:$0x3FB6];
	_ =	sdelay $0x3  }
0x33: {  	p0 =	seq.s32 s10, $0x1;
	s10 =	sld [smem:$0x3FB8];
	_ =	sdelay $0x3  }
0x34: {  	[smem:$0x3FB8] =	sst s10  }
0x35: {  	s10 =	sld [smem:$0x3FB7];
	_ =	sdelay $0x3  }
0x36: {  	p1 =	seq.s32 s10, $0x1;
	s10 =	sld [smem:$0x3FB8];
	_ =	sdelay $0x3  }
0x37: {  	[smem:$0x3FB8] =	sst s10  }
0x38: {  	s10 =	sld [smem:$0x3FB9]  }
0x39: {  	_ = 	snop;
	(pc) =	sbr.ind lr, $3  }
0x3a: {  	_ = 	snop  }
0x3b: {  	_ = 	snop  }
0x3c: {  	p2 =	seq.s32 s10, $0x1;
	s10 =	sld [smem:$0x3FB8]  }
0x3d: {  	_ =	shalt  }
0x3e: {  	_ =	shalt  }
0x3f: {  	_ =	shalt  }
0x40: {  	_ =	shalt  }
0x41: {  	_ =	shalt  }
0x42: {  	_ =	shalt  }
0x43: {  	_ =	shalt  }
0x44: {  	_ =	shalt  }
0x45: {  	_ =	shalt  }
0x46: {  	_ =	shalt  }
0x47: {  	_ =	shalt  }
0x48: {  	_ =	shalt  }
0x49: {  	_ =	shalt  }
0x4a: {  	_ =	shalt  }
0x4b: {  	_ =	shalt  }
0x4c: {  	_ =	shalt  }
0x4d: {  	_ =	shalt  }
0x4e: {  	_ =	shalt  }
0x4f: {  	_ =	shalt  }
0x50: {  	_ =	shalt  }
0x51: {  	_ =	shalt  }
0x52: {  	_ =	shalt  }
0x53: {  	_ =	shalt  }
0x54: {  	_ =	shalt  }
0x55: {  	_ =	shalt  }
0x56: {  	_ =	shalt  }
0x57: {  	_ =	shalt  }
0x58: {  	_ =	shalt  }
0x59: {  	_ =	shalt  }
0x5a: {  	_ =	shalt  }
0x5b: {  	_ =	shalt  }
0x5c: {  	_ =	shalt  }
0x5d: {  	_ =	shalt  }
0x5e: {  	_ =	shalt  }
0x5f: {  	_ =	shalt  }
0x60: {  	_ =	shalt  }
0x61: {  	_ =	shalt  }
0x62: {  	_ =	shalt  }
0x63: {  	_ =	shalt  }
0x64: {  	_ =	shalt  }
0x65: {  	_ =	shalt  }
0x66: {  	_ =	shalt  }
0x67: {  	_ =	shalt  }
0x68: {  	_ =	shalt  }
0x69: {  	_ =	shalt  }
0x6a: {  	_ =	shalt  }
0x6b: {  	_ =	shalt  }
0x6c: {  	_ =	shalt  }
0x6d: {  	_ =	shalt  }
0x6e: {  	_ =	shalt  }
0x6f: {  	_ =	shalt  }
0x70: {  	_ =	shalt  }
0x71: {  	_ =	shalt  }
0x72: {  	_ =	shalt  }
0x73: {  	_ =	shalt  }
0x74: {  	_ =	shalt  }
0x75: {  	_ =	shalt  }
0x76: {  	_ =	shalt  }
0x77: {  	_ =	shalt  }
0x78: {  	_ =	shalt  }
0x79: {  	_ =	shalt  }
0x7a: {  	_ =	shalt  }
0x7b: {  	_ =	shalt  }
0x7c: {  	_ =	shalt  }
0x7d: {  	_ =	shalt  }
0x7e: {  	_ =	shalt  }
0x7f: {  	_ =	shalt  }
0x80: {  	_ =	shalt  }
0x81: {  	_ =	shalt  }
0x82: {  	_ =	shalt  }
0x83: {  	_ =	shalt  }
0x84: {  	_ =	shalt  }
0x85: {  	_ =	shalt  }
0x86: {  	_ =	shalt  }
0x87: {  	_ =	shalt  }
.Lfunc_end0:
.L_simem_size_0:
called_computation_lowered:
.L_overlay_start_0:
0x88: {  	s2 =	sld [smem:$0x3FD9]  }
0x89: {  	s3 =	sld [smem:$0x3FFE];
	_ =	sdelay $0x1  }
0x8a: {  	s1 =	srdreg.scid  }
0x8b: {  	s0 =	sand.u32 $0x1, s1  }
0x8c: {  	s17 =	sshll.u32 s0, $0xA;
	s2 =	sadd.s32 s3, s2  }
0x8d: {  	s2 =	sadd.s32 s2, s17  }
0x8e: {  	[smem:$0x3FC4] =	sst s2  }
0x8f: {  	_ = 	snop  }
0x90: {  	s2 =	sld [smem:$0x3FD0];
	(tm) =	ssettm $0x1  }
0x91: {  	s18 =	sld [smem:$0x3FFB];
	_ =	sdelay $0x3  }
0x92: {  	_ =	strace s18  }
0x93: {  	s3 =	sld [smem:$0x3FFC];
	_ =	sdelay $0x3  }
0x94: {  	_ =	strace s3  }
0x95: {  	s3 =	sld [smem:$0x3FFD];
	_ =	sdelay $0x3  }
0x96: {  	_ =	strace s3  }
0x97: {  	_ =	strace $0x8FFFFFFF  }
0x98: {  	s19 =	sld [smem:$0x3FDB];
	_ =	sdelay $0x1  }
0x99: {  	s4 =	simm.s32 $_scs_section_size  }
0x9a: {  	s5 =	simm.s32 $_size__tile_overlayer_lowered;
	s6 =	simm.s32 $_tile_overlayer_lowered  }
0x9b: {  	s22 =	simm.s32 $0x1BFF;
	s21 =	sshll.u32 s6, $0x1;
	s3 =	sadd.s32 s4, s19  }
0x9c: {  	s7 =	simm.s32 $0x0;
	s20 =	sshll.u32 s5, $0x1;
	s5 =	sadd.s32 s21, s3  }
0x9d: {  	[timem:s7], [sflag:s22] =	dma.local [hbm:s5], s20  }
0x9e: {  	_ =	swait.ge [sflag:s22], s20  }
0x9f: {  	s4 =	ssub.s32 $0x0, s20;
	[sflag:s22] =	ssyncset.done $0x0  }
0xa0: {  	[sflag:s22] =	ssyncadd.s32 s4;
	_ =	sdelay $0x1  }
0xa1: {  	s23 =	simm.s32 $0x1B8B  }
0xa2: {  	_ =	swait.ge [sflag:s23], $0x1  }
0xa3: {  	[sflag:s23] =	ssyncset.done $0x0  }
0xa4: {  	s25 =	simm.s32 $0x1B8E;
	s24 =	sld [smem:$0x3FFE];
	[sflag:s23] =	ssyncadd.s32 $0xFFFFFFFF  }
0xa5: {  	s26 =	simm.s32 $execute0_lowered;
	[smem:$0x3FD2] =	sst s25  }
0xa6: {  	s5 =	sshll.u32 s26, $0x1;
	_ =	strace $0x80000046;
	[dreg:$0x1] =	wrdreg $0xFFFFFFFF  }
0xa7: {  	s28 =	simm.s32 $_size_execute0_lowered;
	s3 =	sadd.s32 s3, s5;
	[dreg:$0x0] =	wrdreg $0x0  }
0xa8: {  	s5 =	sshll.u32 s28, $0x1;
	[dreg:$0x2] =	wrdreg s3  }
0xa9: {  	[dreg:$0x3] =	wrdreg s5  }
0xaa: {  	[dreg:$0x4] =	wrdreg $0xC0  }
0xab: {  	_ =	task [dreg:s7], $0x5FFFF  }
0xac: {  	[dreg:$0x1] =	wrdreg $0xFFFFFFFF  }
0xad: {  	[dreg:$0x0] =	wrdreg $0x60  }
0xae: {  	[dreg:$0x2] =	wrdreg s24  }
0xaf: {  	[dreg:$0x3] =	wrdreg s2  }
0xb0: {  	[dreg:$0x4] =	wrdreg $0x14800  }
0xb1: {  	[dreg:$0x5] =	wrdreg $0x9  }
0xb2: {  	_ =	task.clear_ibuf [dreg:s7], $0x6FFFF;
	_ =	strace $0x90000046  }
0xb3: {  	s29 =	simm.s32 $0x9;
	_ =	strace $0x80000048  }
0xb4: {  	_ =	swait.ge [sflag:s29], $0x1  }
0xb5: {  	[sflag:s29] =	ssyncadd.s32 $0xFFFFFFFF  }
0xb6: {  	_ =	strace $0x90000048  }
0xb7: {  	_ =	sfence  }
0xb8: {  	s30 =	sld [smem:$0x0];
	_ =	sdelay $0x2  }
0xb9: {  	s31 =	sshll.u32 s1, $0xD;
	s1 =	sshrl.u32 s1, $0x2  }
0xba: {  	s3 =	sand.u32 $0x4000, s31;
	s1 =	sadd.s32 s1, s30  }
0xbb: {  	s0 =	sor.u32 s3, s0;
	s1 =	sshll.u32 s1, $0x11  }
0xbc: {  	s0 =	sor.u32 s1, s0  }
0xbd: {  	s0 =	sadd.s32 $0x8F2B, s0  }
0xbe: {  	[sflag:s0] =	ssyncadd.remote.s32 $0x1  }
0xbf: {  	_ =	sfence.sel $0xFFFF  }
0xc0: {  	[dreg:$0x0] =	wrdreg $0xFFFFFFFF;
	(pc) =	sbr.abs _section_cstart, $3  }
0xc1: {  	[dreg:$0x1] =	wrdreg $0xFFFFFFFF  }
0xc2: {  	_ =	task.clear_ibuf [dreg:s7], $0x2FFFF;
	_ =	strace $0x9FFFFFFF  }
0xc3: {  	(tm) =	ssettm $0x7FFFFFFF  }
tec
execute0_lowered:
.L_overlay_start_1:
0x0: {  	(tag) =	ssettag $0x1  }
0x1: {  	s0 =	rddreg [dreg:$0x0]  }
0x2: {  	s1 =	rddreg [dreg:$0x1]  }
0x3: {  	s25 =	rddreg [dreg:$0x3]  }
0x4: {  	[dreg:$0x4] =	wrdreg s1  }
0x5: {  	s22 =	simm.s32 $0x0;
	s1 =	rddreg [dreg:$0x2]  }
0x6: {  	[smem:$0x7FF] =	sst s22;
	s5 =	sadd.s32 $0xB200, s0  }
0x7: {  	s20 =	sadd.s32 $0xB400, s0;
	_ =	strace $0x80000047;
	[dreg:$0x5] =	wrdreg s5  }
0x8: {  	s23 =	simm.s32 $0x80;
	[dreg:$0x6] =	wrdreg s20  }
0x9: {  	s24 =	simm.s32 $0x100;
	[dreg:$0xa] =	wrdreg s23  }
0xa: {  	s26 =	simm.s32 $0x180;
	[dreg:$0xb] =	wrdreg s24  }
0xb: {  	s30 =	simm.s32 $0x200;
	[dreg:$0xc] =	wrdreg s26  }
0xc: {  	s31 =	simm.s32 $0x280;
	[dreg:$0xd] =	wrdreg s30  }
0xd: {  	s6 =	simm.s32 $0x400;
	[dreg:$0xe] =	wrdreg s31  }
0xe: {  	s7 =	simm.s32 $0x480;
	[dreg:$0x11] =	wrdreg s6  }
0xf: {  	s2 =	srdreg.scid;
	s8 =	simm.s32 $0x500;
	[dreg:$0x12] =	wrdreg s7  }
0x10: {  	s3 =	stileid.u32;
	s9 =	simm.s32 $0x580;
	[dreg:$0x13] =	wrdreg s8  }
0x11: {  	s10 =	simm.s32 $0x600;
	s11 =	simm.s32 $0x680;
	[dreg:$0x14] =	wrdreg s9  }
0x12: {  	s13 =	simm.s32 $0x700;
	s15 =	simm.s32 $0x780;
	[dreg:$0x15] =	wrdreg s10  }
0x13: {  	s16 =	simm.s32 $0x800;
	s17 =	simm.s32 $0x880;
	[dreg:$0x16] =	wrdreg s11  }
0x14: {  	s19 =	simm.s32 $0x900;
	p3 =	por $0x0, $0x0;
	[dreg:$0x17] =	wrdreg s13  }
0x15: {  	s2 =	sand.u32 $0x1, s2;
	p0 =	sne.s32 s3, $0x0;
	[dreg:$0x18] =	wrdreg s15  }
0x16: {  	p1 =	seq.s32 s3, $0x0;
	s4 =	sshll.u32 s2, $0x4;
	[dreg:$0x19] =	wrdreg s16  }
0x17: {  	s5 =	simm.s32 $0x380;
	s12 =	ssub.s32 $0x2, s2;
	[dreg:$0x1a] =	wrdreg s17  }
0x18: {  	s18 =	sor.u32 s2, s3;
	p2 =	seq.s32 s2, $0x1;
	[dreg:$0x1b] =	wrdreg s19  }
0x19: {  	s20 =	simm.s32 $0x980;
	s23 =	simm.s32 $0xA80;
	s24 =	simm.s32 $0xB00  }
0x1a: {  	s26 =	simm.s32 $0xB80;
	s30 =	simm.s32 $0xC00;
	s6 =	simm.s32 $0x1400  }
0x1b: {  	s31 =	simm.s32 $0xC80;
	s7 =	simm.s32 $0x7D;
	s2 =	simm.s32 $0x1  }
0x1c: {  	s16 =	simm.s32 $0xD00;
	s17 =	simm.s32 $0xD80;
	s19 =	simm.s32 $0xE80  }
0x1d: {  	s8 =	simm.s32 $0x1000;
	s9 =	simm.s32 $0x1080;
	s10 =	simm.s32 $0x1100  }
0x1e: {  	s11 =	simm.s32 $0x1180;
	s4 =	sor.u32 s3, s4;
	[dreg:$0x10] =	wrdreg s5  }
0x1f: {  	s13 =	simm.s32 $0x1280;
	[dreg:$0x1c] =	wrdreg s20;
	s4 =	smul.u32 $0x280, s4  }
0x20: {  	s15 =	simm.s32 $0x1380;
	s14 =	sshrl.u32 s12, $0x1;
	[dreg:$0x1e] =	wrdreg s23  }
0x21: {  	p1 =	por !p1, !p2;
	[dreg:$0x1f] =	wrdreg s24;
	s4 =	sadd.s32 s4, s0  }
0x22: {  	[smem:$0x7FB] =	sst s26;
	s21 =	sadd.s32 $0x1200, s4;
	s4 =	simm.s32 $0x300  }
0x23: {  	p2 =	sne.s32 s18, $0x0;
	[dreg:$0xf] =	wrdreg s4;
	s4 =	ssub.s32 s12, s14  }
0x24: {  	s23 =	simm.s32 $0x2;
	[smem:$0x7FC] =	sst s30;
	s4 =	smax.u32 s4, $0x1  }
0x25: {  	[smem:$0x7FD] =	sst s31;
	s18 =	simm.s32 $0xE00;
	s29 =	sadd.s32 $0xFFFFFFFF, s4  }
0x26: {  	s20 =	simm.s32 $0xF00;
	s0 =	sadd.s32 $0xBA00, s0;
	p4 =	sne.s32 s29, $0x0  }
.Ltmp0:
0x27: {  	p1 =	por !p1, !p1;
	[dreg:$0x7] =	wrdreg s0;
	(pc) =	sbr.rel @!p4 .LBB2_1-.Ltmp0, $4  }
0x28: {  	s28 =	sshll.u32 @!p2 s3, $0x6;
	s0 =	sshrl.u32 @!p0 s1, $0x3;
	[dreg:$0x8] =	wrdreg s21  }
0x29: {  	s5 =	sshrl.u32 @!p2 s1, $0x3;
	[dreg:$0x9] =	wrdreg s0;
	s21 =	simm.s32 $0xA00  }
0x2a: {  	s3 =	sshrl.u32 @p1 s1, $0x3;
	s12 =	simm.s32 $0x1200;
	[dreg:$0x1d] =	wrdreg s21  }
0x2b: {  	s14 =	simm.s32 $0x1300;
	s21 =	simm.s32 $0xF80;
	s0 =	rddreg [dreg:$0x9]  }
0x2c: {  	s26 =	rddreg [dreg:$0x4];
	s24 =	simm.s32 @!p0 $0x1C02;
	s25 =	simm.s32 @!p0 $0x2  }
0x2d: {  	[spmem:s0], [sflag:s24] =	dma.local @!p0 [hbm:s26], $0x4F0  }
0x2e: {  	_ =	swait.ge @!p0 [sflag:s25], $0x4F0  }
0x2f: {  	[sflag:s25] =	ssyncset.done @!p0 $0x0  }
0x30: {  	s4 =	rddreg [dreg:$0x8];
	[sflag:s25] =	ssyncadd.s32 @!p0 $0xFFFFFB10  }
0x31: {  	[tilespmem:s22], [sflag:$0x2] =	stream.linear.gather [hbm4b:s4+s22], $0x1400, $0x38;
	[tilespmem:$0x16F8] =	vst v63  }
0x32: {  	_ =	swait.ge [sflag:s23], $0x1400  }
0x33: {  	[sflag:s23] =	ssyncset.done $0x0  }
0x34: {  	s26 =	rddreg [dreg:$0x5];
	[sflag:s23] =	ssyncadd.s32 $0xFFFFEC00  }
0x35: {  	[tilespmem:s6], [sflag:$0x2] =	stream.linear.gather [hbm4b:s26+s22], $0x80, $0x38;
	[tilespmem:$0x16F8] =	vst v63  }
0x36: {  	_ =	swait.ge [sflag:s23], $0x80  }
0x37: {  	[sflag:s23] =	ssyncset.done $0x0  }
0x38: {  	[sflag:s23] =	ssyncadd.s32 $0xFFFFFF80  }
0x39: {  	[bflag:$0x0] =	sbarrier.arrive $0xFFFF  }
0x3a: {  	[spmem:s1] =	stream.indirect.scatter.add.f32 [tilespmem:s6], [sflag:$0x1], $0x1, s22, s7, $0xb8;
	[tilespmem:$0x16F8] =	vst v63  }
0x3b: {  	s4 =	rddreg [dreg:$0xa]  }
0x3c: {  	[spmem:s1] =	stream.indirect.scatter.add.f32 [tilespmem:s6], [sflag:$0x1], $0x1, s4, s7, $0xb8;
	[tilespmem:$0x16F8] =	vst v63  }
0x3d: {  	s26 =	rddreg [dreg:$0xb]  }
0x3e: {  	[spmem:s1] =	stream.indirect.scatter.add.f32 [tilespmem:s6], [sflag:$0x1], $0x1, s26, s7, $0xb8;
	[tilespmem:$0x16F8] =	vst v63  }
0x3f: {  	s4 =	rddreg [dreg:$0xc]  }
0x40: {  	[spmem:s1] =	stream.indirect.scatter.add.f32 [tilespmem:s6], [sflag:$0x1], $0x1, s4, s7, $0xb8;
	[tilespmem:$0x16F8] =	vst v63  }
0x41: {  	s26 =	rddreg [dreg:$0xd]  }
0x42: {  	[spmem:s1] =	stream.indirect.scatter.add.f32 [tilespmem:s6], [sflag:$0x1], $0x1, s26, s7, $0xb8;
	[tilespmem:$0x16F8] =	vst v63  }
0x43: {  	s4 =	rddreg [dreg:$0xe]  }
0x44: {  	[spmem:s1] =	stream.indirect.scatter.add.f32 [tilespmem:s6], [sflag:$0x1], $0x1, s4, s7, $0xb8;
	[tilespmem:$0x16F8] =	vst v63  }
0x45: {  	s26 =	rddreg [dreg:$0xf]  }
0x46: {  	[spmem:s1] =	stream.indirect.scatter.add.f32 [tilespmem:s6], [sflag:$0x1], $0x1, s26, s7, $0xb8;
	[tilespmem:$0x16F8] =	vst v63  }
0x47: {  	s4 =	rddreg [dreg:$0x10]  }
0x48: {  	[spmem:s1] =	stream.indirect.scatter.add.f32 [tilespmem:s6], [sflag:$0x1], $0x1, s4, s7, $0xb8;
	[tilespmem:$0x16F8] =	vst v63  }
0x49: {  	_ =	swait.ge [sflag:s2], $0x7D  }
0x4a: {  	[sflag:s2] =	ssyncset.done $0x0  }
0x4b: {  	[sflag:s2] =	ssyncadd.s32 $0xFFFFFF83  }
0x4c: {  	_ =	swait.ge [sflag:s2], $0x7D  }
0x4d: {  	[sflag:s2] =	ssyncset.done $0x0  }
0x4e: {  	[sflag:s2] =	ssyncadd.s32 $0xFFFFFF83  }
0x4f: {  	_ =	swait.ge [sflag:s2], $0x7D  }
0x50: {  	[sflag:s2] =	ssyncset.done $0x0  }
0x51: {  	[sflag:s2] =	ssyncadd.s32 $0xFFFFFF83  }
0x52: {  	_ =	swait.ge [sflag:s2], $0x7D  }
0x53: {  	[sflag:s2] =	ssyncset.done $0x0  }
0x54: {  	[sflag:s2] =	ssyncadd.s32 $0xFFFFFF83  }
0x55: {  	_ =	swait.ge [sflag:s2], $0x7D  }
0x56: {  	[sflag:s2] =	ssyncset.done $0x0  }
0x57: {  	[sflag:s2] =	ssyncadd.s32 $0xFFFFFF83  }
0x58: {  	_ =	swait.ge [sflag:s2], $0x7D  }
0x59: {  	[sflag:s2] =	ssyncset.done $0x0  }
0x5a: {  	[sflag:s2] =	ssyncadd.s32 $0xFFFFFF83  }
0x5b: {  	_ =	swait.ge [sflag:s2], $0x7D  }
0x5c: {  	[sflag:s2] =	ssyncset.done $0x0  }
0x5d: {  	[sflag:s2] =	ssyncadd.s32 $0xFFFFFF83  }
0x5e: {  	_ =	swait.ge [sflag:s2], $0x7D  }
0x5f: {  	[sflag:s2] =	ssyncset.done $0x0  }
0x60: {  	s26 =	rddreg [dreg:$0x11];
	[sflag:s2] =	ssyncadd.s32 $0xFFFFFF83  }
0x61: {  	[spmem:s1] =	stream.indirect.scatter.add.f32 [tilespmem:s6], [sflag:$0x1], $0x1, s26, s7, $0xb8;
	[tilespmem:$0x16F8] =	vst v63  }
0x62: {  	s4 =	rddreg [dreg:$0x12]  }
0x63: {  	[spmem:s1] =	stream.indirect.scatter.add.f32 [tilespmem:s6], [sflag:$0x1], $0x1, s4, s7, $0xb8;
	[tilespmem:$0x16F8] =	vst v63  }
0x64: {  	s0 =	rddreg [dreg:$0x13]  }
0x65: {  	[spmem:s1] =	stream.indirect.scatter.add.f32 [tilespmem:s6], [sflag:$0x1], $0x1, s0, s7, $0xb8;
	[tilespmem:$0x16F8] =	vst v63  }
0x66: {  	s4 =	rddreg [dreg:$0x14]  }
0x67: {  	[spmem:s1] =	stream.indirect.scatter.add.f32 [tilespmem:s6], [sflag:$0x1], $0x1, s4, s7, $0xb8;
	[tilespmem:$0x16F8] =	vst v63  }
0x68: {  	s0 =	rddreg [dreg:$0x15]  }
0x69: {  	[spmem:s1] =	stream.indirect.scatter.add.f32 [tilespmem:s6], [sflag:$0x1], $0x1, s0, s7, $0xb8;
	[tilespmem:$0x16F8] =	vst v63  }
0x6a: {  	s4 =	rddreg [dreg:$0x16]  }
0x6b: {  	[spmem:s1] =	stream.indirect.scatter.add.f32 [tilespmem:s6], [sflag:$0x1], $0x1, s4, s7, $0xb8;
	[tilespmem:$0x16F8] =	vst v63  }
0x6c: {  	s0 =	rddreg [dreg:$0x17]  }
0x6d: {  	[spmem:s1] =	stream.indirect.scatter.add.f32 [tilespmem:s6], [sflag:$0x1], $0x1, s0, s7, $0xb8;
	[tilespmem:$0x16F8] =	vst v63  }
0x6e: {  	s4 =	rddreg [dreg:$0x18]  }
0x6f: {  	[spmem:s1] =	stream.indirect.scatter.add.f32 [tilespmem:s6], [sflag:$0x1], $0x1, s4, s7, $0xb8;
	[tilespmem:$0x16F8] =	vst v63  }
0x70: {  	_ =	swait.ge [sflag:s2], $0x7D  }
0x71: {  	[sflag:s2] =	ssyncset.done $0x0  }
0x72: {  	[sflag:s2] =	ssyncadd.s32 $0xFFFFFF83  }
0x73: {  	_ =	swait.ge [sflag:s2], $0x7D  }
0x74: {  	[sflag:s2] =	ssyncset.done $0x0  }
0x75: {  	[sflag:s2] =	ssyncadd.s32 $0xFFFFFF83  }
0x76: {  	_ =	swait.ge [sflag:s2], $0x7D  }
0x77: {  	[sflag:s2] =	ssyncset.done $0x0  }
0x78: {  	[sflag:s2] =	ssyncadd.s32 $0xFFFFFF83  }
0x79: {  	_ =	swait.ge [sflag:s2], $0x7D  }
0x7a: {  	[sflag:s2] =	ssyncset.done $0x0  }
0x7b: {  	[sflag:s2] =	ssyncadd.s32 $0xFFFFFF83  }
0x7c: {  	_ =	swait.ge [sflag:s2], $0x7D  }
0x7d: {  	[sflag:s2] =	ssyncset.done $0x0  }
0x7e: {  	[sflag:s2] =	ssyncadd.s32 $0xFFFFFF83  }
0x7f: {  	_ =	swait.ge [sflag:s2], $0x7D  }
0x80: {  	[sflag:s2] =	ssyncset.done $0x0  }
0x81: {  	[sflag:s2] =	ssyncadd.s32 $0xFFFFFF83  }
0x82: {  	_ =	swait.ge [sflag:s2], $0x7D  }
0x83: {  	[sflag:s2] =	ssyncset.done $0x0  }
0x84: {  	[sflag:s2] =	ssyncadd.s32 $0xFFFFFF83  }
0x85: {  	_ =	swait.ge [sflag:s2], $0x7D  }
0x86: {  	s26 =	rddreg [dreg:$0x19];
	[sflag:s2] =	ssyncset.done $0x0  }
0x87: {  	s4 =	rddreg [dreg:$0x1a];
	[sflag:s2] =	ssyncadd.s32 $0xFFFFFF83  }
0x88: {  	[spmem:s1] =	stream.indirect.scatter.add.f32 [tilespmem:s6], [sflag:$0x1], $0x1, s26, s7, $0xb8;
	[tilespmem:$0x16F8] =	vst v63  }
0x89: {  	s0 =	rddreg [dreg:$0x1b]  }
0x8a: {  	[spmem:s1] =	stream.indirect.scatter.add.f32 [tilespmem:s6], [sflag:$0x1], $0x1, s4, s7, $0xb8;
	[tilespmem:$0x16F8] =	vst v63  }
0x8b: {  	s4 =	rddreg [dreg:$0x1c]  }
0x8c: {  	[spmem:s1] =	stream.indirect.scatter.add.f32 [tilespmem:s6], [sflag:$0x1], $0x1, s0, s7, $0xb8;
	[tilespmem:$0x16F8] =	vst v63  }
0x8d: {  	s0 =	rddreg [dreg:$0x1d]  }
0x8e: {  	[spmem:s1] =	stream.indirect.scatter.add.f32 [tilespmem:s6], [sflag:$0x1], $0x1, s4, s7, $0xb8;
	[tilespmem:$0x16F8] =	vst v63  }
0x8f: {  	s4 =	rddreg [dreg:$0x1e]  }
0x90: {  	[spmem:s1] =	stream.indirect.scatter.add.f32 [tilespmem:s6], [sflag:$0x1], $0x1, s0, s7, $0xb8;
	[tilespmem:$0x16F8] =	vst v63  }
0x91: {  	s0 =	rddreg [dreg:$0x1f]  }
0x92: {  	[spmem:s1] =	stream.indirect.scatter.add.f32 [tilespmem:s6], [sflag:$0x1], $0x1, s4, s7, $0xb8;
	[tilespmem:$0x16F8] =	vst v63  }
0x93: {  	s4 =	sld [smem:$0x7FB]  }
0x94: {  	[spmem:s1] =	stream.indirect.scatter.add.f32 [tilespmem:s6], [sflag:$0x1], $0x1, s0, s7, $0xb8;
	[tilespmem:$0x16F8] =	vst v63  }
0x95: {  	_ = 	snop  }
0x96: {  	[spmem:s1] =	stream.indirect.scatter.add.f32 [tilespmem:s6], [sflag:$0x1], $0x1, s4, s7, $0xb8;
	[tilespmem:$0x16F8] =	vst v63  }
0x97: {  	_ =	swait.ge [sflag:s2], $0x7D  }
0x98: {  	[sflag:s2] =	ssyncset.done $0x0  }
0x99: {  	[sflag:s2] =	ssyncadd.s32 $0xFFFFFF83  }
0x9a: {  	_ =	swait.ge [sflag:s2], $0x7D  }
0x9b: {  	[sflag:s2] =	ssyncset.done $0x0  }
0x9c: {  	[sflag:s2] =	ssyncadd.s32 $0xFFFFFF83  }
0x9d: {  	_ =	swait.ge [sflag:s2], $0x7D  }
0x9e: {  	[sflag:s2] =	ssyncset.done $0x0  }
0x9f: {  	[sflag:s2] =	ssyncadd.s32 $0xFFFFFF83  }
0xa0: {  	_ =	swait.ge [sflag:s2], $0x7D  }
0xa1: {  	[sflag:s2] =	ssyncset.done $0x0  }
0xa2: {  	[sflag:s2] =	ssyncadd.s32 $0xFFFFFF83  }
0xa3: {  	_ =	swait.ge [sflag:s2], $0x7D  }
0xa4: {  	[sflag:s2] =	ssyncset.done $0x0  }
0xa5: {  	[sflag:s2] =	ssyncadd.s32 $0xFFFFFF83  }
0xa6: {  	_ =	swait.ge [sflag:s2], $0x7D  }
0xa7: {  	[sflag:s2] =	ssyncset.done $0x0  }
0xa8: {  	[sflag:s2] =	ssyncadd.s32 $0xFFFFFF83  }
0xa9: {  	_ =	swait.ge [sflag:s2], $0x7D  }
0xaa: {  	[sflag:s2] =	ssyncset.done $0x0  }
0xab: {  	[sflag:s2] =	ssyncadd.s32 $0xFFFFFF83  }
0xac: {  	_ =	swait.ge [sflag:s2], $0x7D  }
0xad: {  	s26 =	sld [smem:$0x7FC]  }
0xae: {  	[sflag:s2] =	ssyncset.done $0x0  }
0xaf: {  	s4 =	sld [smem:$0x7FD];
	[sflag:s2] =	ssyncadd.s32 $0xFFFFFF83  }
0xb0: {  	[spmem:s1] =	stream.indirect.scatter.add.f32 [tilespmem:s6], [sflag:$0x1], $0x1, s26, s7, $0xb8;
	[tilespmem:$0x16F8] =	vst v63  }
0xb1: {  	_ = 	snop  }
0xb2: {  	[spmem:s1] =	stream.indirect.scatter.add.f32 [tilespmem:s6], [sflag:$0x1], $0x1, s4, s7, $0xb8;
	[tilespmem:$0x16F8] =	vst v63  }
0xb3: {  	_ = 	snop  }
0xb4: {  	[spmem:s1] =	stream.indirect.scatter.add.f32 [tilespmem:s6], [sflag:$0x1], $0x1, s16, s7, $0xb8;
	[tilespmem:$0x16F8] =	vst v63  }
0xb5: {  	_ = 	snop  }
0xb6: {  	[spmem:s1] =	stream.indirect.scatter.add.f32 [tilespmem:s6], [sflag:$0x1], $0x1, s17, s7, $0xb8;
	[tilespmem:$0x16F8] =	vst v63  }
0xb7: {  	_ = 	snop  }
0xb8: {  	[spmem:s1] =	stream.indirect.scatter.add.f32 [tilespmem:s6], [sflag:$0x1], $0x1, s18, s7, $0xb8;
	[tilespmem:$0x16F8] =	vst v63  }
0xb9: {  	_ = 	snop  }
0xba: {  	[spmem:s1] =	stream.indirect.scatter.add.f32 [tilespmem:s6], [sflag:$0x1], $0x1, s19, s7, $0xb8;
	[tilespmem:$0x16F8] =	vst v63  }
0xbb: {  	_ = 	snop  }
0xbc: {  	[spmem:s1] =	stream.indirect.scatter.add.f32 [tilespmem:s6], [sflag:$0x1], $0x1, s20, s7, $0xb8;
	[tilespmem:$0x16F8] =	vst v63  }
0xbd: {  	_ = 	snop  }
0xbe: {  	[spmem:s1] =	stream.indirect.scatter.add.f32 [tilespmem:s6], [sflag:$0x1], $0x1, s21, s7, $0xb8;
	[tilespmem:$0x16F8] =	vst v63  }
0xbf: {  	_ =	swait.ge [sflag:s2], $0x7D  }
0xc0: {  	[sflag:s2] =	ssyncset.done $0x0  }
0xc1: {  	[sflag:s2] =	ssyncadd.s32 $0xFFFFFF83  }
0xc2: {  	_ =	swait.ge [sflag:s2], $0x7D  }
0xc3: {  	[sflag:s2] =	ssyncset.done $0x0  }
0xc4: {  	[sflag:s2] =	ssyncadd.s32 $0xFFFFFF83  }
0xc5: {  	_ =	swait.ge [sflag:s2], $0x7D  }
0xc6: {  	[sflag:s2] =	ssyncset.done $0x0  }
0xc7: {  	[sflag:s2] =	ssyncadd.s32 $0xFFFFFF83  }
0xc8: {  	_ =	swait.ge [sflag:s2], $0x7D  }
0xc9: {  	[sflag:s2] =	ssyncset.done $0x0  }
0xca: {  	[sflag:s2] =	ssyncadd.s32 $0xFFFFFF83  }
0xcb: {  	_ =	swait.ge [sflag:s2], $0x7D  }
0xcc: {  	[sflag:s2] =	ssyncset.done $0x0  }
0xcd: {  	[sflag:s2] =	ssyncadd.s32 $0xFFFFFF83  }
0xce: {  	_ =	swait.ge [sflag:s2], $0x7D  }
0xcf: {  	[sflag:s2] =	ssyncset.done $0x0  }
0xd0: {  	[sflag:s2] =	ssyncadd.s32 $0xFFFFFF83  }
0xd1: {  	_ =	swait.ge [sflag:s2], $0x7D  }
0xd2: {  	[sflag:s2] =	ssyncset.done $0x0  }
0xd3: {  	[sflag:s2] =	ssyncadd.s32 $0xFFFFFF83  }
0xd4: {  	_ =	swait.ge [sflag:s2], $0x7D  }
0xd5: {  	[sflag:s2] =	ssyncset.done $0x0  }
0xd6: {  	[sflag:s2] =	ssyncadd.s32 $0xFFFFFF83  }
0xd7: {  	[spmem:s1] =	stream.indirect.scatter.add.f32 [tilespmem:s6], [sflag:$0x1], $0x1, s8, s7, $0xb8;
	[tilespmem:$0x16F8] =	vst v63  }
0xd8: {  	_ = 	snop  }
0xd9: {  	[spmem:s1] =	stream.indirect.scatter.add.f32 [tilespmem:s6], [sflag:$0x1], $0x1, s9, s7, $0xb8;
	[tilespmem:$0x16F8] =	vst v63  }
0xda: {  	_ = 	snop  }
0xdb: {  	[spmem:s1] =	stream.indirect.scatter.add.f32 [tilespmem:s6], [sflag:$0x1], $0x1, s10, s7, $0xb8;
	[tilespmem:$0x16F8] =	vst v63  }
0xdc: {  	_ = 	snop  }
0xdd: {  	[spmem:s1] =	stream.indirect.scatter.add.f32 [tilespmem:s6], [sflag:$0x1], $0x1, s11, s7, $0xb8;
	[tilespmem:$0x16F8] =	vst v63  }
0xde: {  	_ = 	snop  }
0xdf: {  	[spmem:s1] =	stream.indirect.scatter.add.f32 [tilespmem:s6], [sflag:$0x1], $0x1, s12, s7, $0xb8;
	[tilespmem:$0x16F8] =	vst v63  }
0xe0: {  	_ = 	snop  }
0xe1: {  	[spmem:s1] =	stream.indirect.scatter.add.f32 [tilespmem:s6], [sflag:$0x1], $0x1, s13, s7, $0xb8;
	[tilespmem:$0x16F8] =	vst v63  }
0xe2: {  	_ = 	snop  }
0xe3: {  	[spmem:s1] =	stream.indirect.scatter.add.f32 [tilespmem:s6], [sflag:$0x1], $0x1, s14, s7, $0xb8;
	[tilespmem:$0x16F8] =	vst v63  }
0xe4: {  	_ = 	snop  }
0xe5: {  	[spmem:s1] =	stream.indirect.scatter.add.f32 [tilespmem:s6], [sflag:$0x1], $0x1, s15, s7, $0xb8;
	[tilespmem:$0x16F8] =	vst v63  }
0xe6: {  	_ =	swait.ge [sflag:s2], $0x7D  }
0xe7: {  	[sflag:s2] =	ssyncset.done $0x0  }
0xe8: {  	[sflag:s2] =	ssyncadd.s32 $0xFFFFFF83  }
0xe9: {  	_ =	swait.ge [sflag:s2], $0x7D  }
0xea: {  	[sflag:s2] =	ssyncset.done $0x0  }
0xeb: {  	[sflag:s2] =	ssyncadd.s32 $0xFFFFFF83  }
0xec: {  	_ =	swait.ge [sflag:s2], $0x7D  }
0xed: {  	[sflag:s2] =	ssyncset.done $0x0  }
0xee: {  	[sflag:s2] =	ssyncadd.s32 $0xFFFFFF83  }
0xef: {  	_ =	swait.ge [sflag:s2], $0x7D  }
0xf0: {  	[sflag:s2] =	ssyncset.done $0x0  }
0xf1: {  	[sflag:s2] =	ssyncadd.s32 $0xFFFFFF83  }
0xf2: {  	_ =	swait.ge [sflag:s2], $0x7D  }
0xf3: {  	[sflag:s2] =	ssyncset.done $0x0  }
0xf4: {  	[sflag:s2] =	ssyncadd.s32 $0xFFFFFF83  }
0xf5: {  	_ =	swait.ge [sflag:s2], $0x7D  }
0xf6: {  	[sflag:s2] =	ssyncset.done $0x0  }
0xf7: {  	[sflag:s2] =	ssyncadd.s32 $0xFFFFFF83  }
0xf8: {  	_ =	swait.ge [sflag:s2], $0x7D  }
0xf9: {  	[sflag:s2] =	ssyncset.done $0x0  }
0xfa: {  	[sflag:s2] =	ssyncadd.s32 $0xFFFFFF83  }
0xfb: {  	_ =	swait.ge [sflag:s2], $0x7D  }
0xfc: {  	[sflag:s2] =	ssyncset.done $0x0  }
0xfd: {  	[sflag:s2] =	ssyncadd.s32 $0xFFFFFF83  }
0xfe: {  	[bflag:$0x0] =	sbarrier.arrive $0xFFFF  }
0xff: {  	s30 =	sadd.s32 $0xFFFFFFFF, s29;
	s0 =	rddreg [dreg:$0x6]  }
0x100: {  	s26 =	sor.u32 @!p2 $0x1C02, s28;
	[smem:$0x7FA] =	sst s28;
	s28 =	simm.s32 @!p2 $0x2  }
0x101: {  	[hbm:s0], [sflag:s26] =	dma.local @!p2 [spmem:s5], $0x4F0  }
0x102: {  	p4 =	sne.s32 s30, $0x0;
	_ =	swait.ge @!p2 [sflag:s28], $0x4F0  }
.Ltmp1:
0x103: {  	s31 =	simm.s32 @p1 $0x1C02;
	[sflag:s28] =	ssyncset.done @!p2 $0x0;
	(pc) =	sbr.rel @!p4 .LBB2_3-.Ltmp1, $4  }
0x104: {  	s29 =	simm.s32 @p1 $0x2;
	s0 =	rddreg [dreg:$0x7];
	[sflag:s28] =	ssyncadd.s32 @!p2 $0xFFFFFB10  }
0x105: {  	[hbm:s0], [sflag:s31] =	dma.local @p1 [spmem:s3], $0x4F0  }
0x106: {  	_ =	swait.ge @p1 [sflag:s29], $0x4F0  }
0x107: {  	p3 =	por $0x1, $0x1;
	s0 =	rddreg [dreg:$0x9];
	[sflag:s29] =	ssyncset.done @p1 $0x0  }
.LBB2_4:
0x108: {  	s4 =	rddreg [dreg:$0x4];
	[sflag:s29] =	ssyncadd.s32 @p1 $0xFFFFFB10  }
0x109: {  	[spmem:s0], [sflag:s24] =	dma.local @!p0 [hbm:s4], $0x4F0  }
0x10a: {  	_ =	swait.ge @!p0 [sflag:s25], $0x4F0  }
0x10b: {  	[sflag:s25] =	ssyncset.done @!p0 $0x0  }
0x10c: {  	s4 =	rddreg [dreg:$0x8];
	[sflag:s25] =	ssyncadd.s32 @!p0 $0xFFFFFB10  }
0x10d: {  	[tilespmem:s22], [sflag:$0x2] =	stream.linear.gather [hbm4b:s4+s22], $0x1400, $0x38;
	[tilespmem:$0x16F8] =	vst v63  }
0x10e: {  	_ =	swait.ge [sflag:s23], $0x1400  }
0x10f: {  	[sflag:s23] =	ssyncset.done $0x0  }
0x110: {  	s4 =	rddreg [dreg:$0x5];
	[sflag:s23] =	ssyncadd.s32 $0xFFFFEC00  }
0x111: {  	[tilespmem:s6], [sflag:$0x2] =	stream.linear.gather [hbm4b:s4+s22], $0x80, $0x38;
	[tilespmem:$0x16F8] =	vst v63  }
0x112: {  	_ =	swait.ge [sflag:s23], $0x80  }
0x113: {  	[sflag:s23] =	ssyncset.done $0x0  }
0x114: {  	[sflag:s23] =	ssyncadd.s32 $0xFFFFFF80  }
0x115: {  	[bflag:$0x0] =	sbarrier.arrive $0xFFFF  }
0x116: {  	[spmem:s1] =	stream.indirect.scatter.add.f32 [tilespmem:s6], [sflag:$0x1], $0x1, s22, s7, $0xb8;
	[tilespmem:$0x16F8] =	vst v63  }
0x117: {  	s0 =	rddreg [dreg:$0xa]  }
0x118: {  	[spmem:s1] =	stream.indirect.scatter.add.f32 [tilespmem:s6], [sflag:$0x1], $0x1, s0, s7, $0xb8;
	[tilespmem:$0x16F8] =	vst v63  }
0x119: {  	s4 =	rddreg [dreg:$0xb]  }
0x11a: {  	[spmem:s1] =	stream.indirect.scatter.add.f32 [tilespmem:s6], [sflag:$0x1], $0x1, s4, s7, $0xb8;
	[tilespmem:$0x16F8] =	vst v63  }
0x11b: {  	s0 =	rddreg [dreg:$0xc]  }
0x11c: {  	[spmem:s1] =	stream.indirect.scatter.add.f32 [tilespmem:s6], [sflag:$0x1], $0x1, s0, s7, $0xb8;
	[tilespmem:$0x16F8] =	vst v63  }
0x11d: {  	s4 =	rddreg [dreg:$0xd]  }
0x11e: {  	[spmem:s1] =	stream.indirect.scatter.add.f32 [tilespmem:s6], [sflag:$0x1], $0x1, s4, s7, $0xb8;
	[tilespmem:$0x16F8] =	vst v63  }
0x11f: {  	s0 =	rddreg [dreg:$0xe]  }
0x120: {  	[spmem:s1] =	stream.indirect.scatter.add.f32 [tilespmem:s6], [sflag:$0x1], $0x1, s0, s7, $0xb8;
	[tilespmem:$0x16F8] =	vst v63  }
0x121: {  	s4 =	rddreg [dreg:$0xf]  }
0x122: {  	[spmem:s1] =	stream.indirect.scatter.add.f32 [tilespmem:s6], [sflag:$0x1], $0x1, s4, s7, $0xb8;
	[tilespmem:$0x16F8] =	vst v63  }
0x123: {  	s0 =	rddreg [dreg:$0x10]  }
0x124: {  	[spmem:s1] =	stream.indirect.scatter.add.f32 [tilespmem:s6], [sflag:$0x1], $0x1, s0, s7, $0xb8;
	[tilespmem:$0x16F8] =	vst v63  }
0x125: {  	_ =	swait.ge [sflag:s2], $0x7D  }
0x126: {  	[sflag:s2] =	ssyncset.done $0x0  }
0x127: {  	[sflag:s2] =	ssyncadd.s32 $0xFFFFFF83  }
0x128: {  	_ =	swait.ge [sflag:s2], $0x7D  }
0x129: {  	[sflag:s2] =	ssyncset.done $0x0  }
0x12a: {  	[sflag:s2] =	ssyncadd.s32 $0xFFFFFF83  }
0x12b: {  	_ =	swait.ge [sflag:s2], $0x7D  }
0x12c: {  	[sflag:s2] =	ssyncset.done $0x0  }
0x12d: {  	[sflag:s2] =	ssyncadd.s32 $0xFFFFFF83  }
0x12e: {  	_ =	swait.ge [sflag:s2], $0x7D  }
0x12f: {  	[sflag:s2] =	ssyncset.done $0x0  }
0x130: {  	[sflag:s2] =	ssyncadd.s32 $0xFFFFFF83  }
0x131: {  	_ =	swait.ge [sflag:s2], $0x7D  }
0x132: {  	[sflag:s2] =	ssyncset.done $0x0  }
0x133: {  	[sflag:s2] =	ssyncadd.s32 $0xFFFFFF83  }
0x134: {  	_ =	swait.ge [sflag:s2], $0x7D  }
0x135: {  	[sflag:s2] =	ssyncset.done $0x0  }
0x136: {  	[sflag:s2] =	ssyncadd.s32 $0xFFFFFF83  }
0x137: {  	_ =	swait.ge [sflag:s2], $0x7D  }
0x138: {  	[sflag:s2] =	ssyncset.done $0x0  }
0x139: {  	[sflag:s2] =	ssyncadd.s32 $0xFFFFFF83  }
0x13a: {  	_ =	swait.ge [sflag:s2], $0x7D  }
0x13b: {  	[sflag:s2] =	ssyncset.done $0x0  }
0x13c: {  	s0 =	rddreg [dreg:$0x11];
	[sflag:s2] =	ssyncadd.s32 $0xFFFFFF83  }
0x13d: {  	[spmem:s1] =	stream.indirect.scatter.add.f32 [tilespmem:s6], [sflag:$0x1], $0x1, s0, s7, $0xb8;
	[tilespmem:$0x16F8] =	vst v63  }
0x13e: {  	s4 =	rddreg [dreg:$0x12]  }
0x13f: {  	[spmem:s1] =	stream.indirect.scatter.add.f32 [tilespmem:s6], [sflag:$0x1], $0x1, s4, s7, $0xb8;
	[tilespmem:$0x16F8] =	vst v63  }
0x140: {  	s0 =	rddreg [dreg:$0x13]  }
0x141: {  	[spmem:s1] =	stream.indirect.scatter.add.f32 [tilespmem:s6], [sflag:$0x1], $0x1, s0, s7, $0xb8;
	[tilespmem:$0x16F8] =	vst v63  }
0x142: {  	s4 =	rddreg [dreg:$0x14]  }
0x143: {  	[spmem:s1] =	stream.indirect.scatter.add.f32 [tilespmem:s6], [sflag:$0x1], $0x1, s4, s7, $0xb8;
	[tilespmem:$0x16F8] =	vst v63  }
0x144: {  	s0 =	rddreg [dreg:$0x15]  }
0x145: {  	[spmem:s1] =	stream.indirect.scatter.add.f32 [tilespmem:s6], [sflag:$0x1], $0x1, s0, s7, $0xb8;
	[tilespmem:$0x16F8] =	vst v63  }
0x146: {  	s4 =	rddreg [dreg:$0x16]  }
0x147: {  	[spmem:s1] =	stream.indirect.scatter.add.f32 [tilespmem:s6], [sflag:$0x1], $0x1, s4, s7, $0xb8;
	[tilespmem:$0x16F8] =	vst v63  }
0x148: {  	s0 =	rddreg [dreg:$0x17]  }
0x149: {  	[spmem:s1] =	stream.indirect.scatter.add.f32 [tilespmem:s6], [sflag:$0x1], $0x1, s0, s7, $0xb8;
	[tilespmem:$0x16F8] =	vst v63  }
0x14a: {  	s4 =	rddreg [dreg:$0x18]  }
0x14b: {  	[spmem:s1] =	stream.indirect.scatter.add.f32 [tilespmem:s6], [sflag:$0x1], $0x1, s4, s7, $0xb8;
	[tilespmem:$0x16F8] =	vst v63  }
0x14c: {  	_ =	swait.ge [sflag:s2], $0x7D  }
0x14d: {  	[sflag:s2] =	ssyncset.done $0x0  }
0x14e: {  	[sflag:s2] =	ssyncadd.s32 $0xFFFFFF83  }
0x14f: {  	_ =	swait.ge [sflag:s2], $0x7D  }
0x150: {  	[sflag:s2] =	ssyncset.done $0x0  }
0x151: {  	[sflag:s2] =	ssyncadd.s32 $0xFFFFFF83  }
0x152: {  	_ =	swait.ge [sflag:s2], $0x7D  }
0x153: {  	[sflag:s2] =	ssyncset.done $0x0  }
0x154: {  	[sflag:s2] =	ssyncadd.s32 $0xFFFFFF83  }
0x155: {  	_ =	swait.ge [sflag:s2], $0x7D  }
0x156: {  	[sflag:s2] =	ssyncset.done $0x0  }
0x157: {  	[sflag:s2] =	ssyncadd.s32 $0xFFFFFF83  }
0x158: {  	_ =	swait.ge [sflag:s2], $0x7D  }
0x159: {  	[sflag:s2] =	ssyncset.done $0x0  }
0x15a: {  	[sflag:s2] =	ssyncadd.s32 $0xFFFFFF83  }
0x15b: {  	_ =	swait.ge [sflag:s2], $0x7D  }
0x15c: {  	[sflag:s2] =	ssyncset.done $0x0  }
0x15d: {  	[sflag:s2] =	ssyncadd.s32 $0xFFFFFF83  }
0x15e: {  	_ =	swait.ge [sflag:s2], $0x7D  }
0x15f: {  	[sflag:s2] =	ssyncset.done $0x0  }
0x160: {  	[sflag:s2] =	ssyncadd.s32 $0xFFFFFF83  }
0x161: {  	_ =	swait.ge [sflag:s2], $0x7D  }
0x162: {  	s0 =	rddreg [dreg:$0x19];
	[sflag:s2] =	ssyncset.done $0x0  }
0x163: {  	s4 =	rddreg [dreg:$0x1a];
	[sflag:s2] =	ssyncadd.s32 $0xFFFFFF83  }
0x164: {  	[spmem:s1] =	stream.indirect.scatter.add.f32 [tilespmem:s6], [sflag:$0x1], $0x1, s0, s7, $0xb8;
	[tilespmem:$0x16F8] =	vst v63  }
0x165: {  	s0 =	rddreg [dreg:$0x1b]  }
0x166: {  	[spmem:s1] =	stream.indirect.scatter.add.f32 [tilespmem:s6], [sflag:$0x1], $0x1, s4, s7, $0xb8;
	[tilespmem:$0x16F8] =	vst v63  }
0x167: {  	s4 =	rddreg [dreg:$0x1c]  }
0x168: {  	[spmem:s1] =	stream.indirect.scatter.add.f32 [tilespmem:s6], [sflag:$0x1], $0x1, s0, s7, $0xb8;
	[tilespmem:$0x16F8] =	vst v63  }
0x169: {  	s0 =	rddreg [dreg:$0x1d]  }
0x16a: {  	[spmem:s1] =	stream.indirect.scatter.add.f32 [tilespmem:s6], [sflag:$0x1], $0x1, s4, s7, $0xb8;
	[tilespmem:$0x16F8] =	vst v63  }
0x16b: {  	s4 =	rddreg [dreg:$0x1e]  }
0x16c: {  	[spmem:s1] =	stream.indirect.scatter.add.f32 [tilespmem:s6], [sflag:$0x1], $0x1, s0, s7, $0xb8;
	[tilespmem:$0x16F8] =	vst v63  }
0x16d: {  	s0 =	rddreg [dreg:$0x1f]  }
0x16e: {  	[spmem:s1] =	stream.indirect.scatter.add.f32 [tilespmem:s6], [sflag:$0x1], $0x1, s4, s7, $0xb8;
	[tilespmem:$0x16F8] =	vst v63  }
0x16f: {  	s4 =	sld [smem:$0x7FB]  }
0x170: {  	[spmem:s1] =	stream.indirect.scatter.add.f32 [tilespmem:s6], [sflag:$0x1], $0x1, s0, s7, $0xb8;
	[tilespmem:$0x16F8] =	vst v63  }
0x171: {  	_ = 	snop  }
0x172: {  	[spmem:s1] =	stream.indirect.scatter.add.f32 [tilespmem:s6], [sflag:$0x1], $0x1, s4, s7, $0xb8;
	[tilespmem:$0x16F8] =	vst v63  }
0x173: {  	_ =	swait.ge [sflag:s2], $0x7D  }
0x174: {  	[sflag:s2] =	ssyncset.done $0x0  }
0x175: {  	[sflag:s2] =	ssyncadd.s32 $0xFFFFFF83  }
0x176: {  	_ =	swait.ge [sflag:s2], $0x7D  }
0x177: {  	[sflag:s2] =	ssyncset.done $0x0  }
0x178: {  	[sflag:s2] =	ssyncadd.s32 $0xFFFFFF83  }
0x179: {  	_ =	swait.ge [sflag:s2], $0x7D  }
0x17a: {  	[sflag:s2] =	ssyncset.done $0x0  }
0x17b: {  	[sflag:s2] =	ssyncadd.s32 $0xFFFFFF83  }
0x17c: {  	_ =	swait.ge [sflag:s2], $0x7D  }
0x17d: {  	[sflag:s2] =	ssyncset.done $0x0  }
0x17e: {  	[sflag:s2] =	ssyncadd.s32 $0xFFFFFF83  }
0x17f: {  	_ =	swait.ge [sflag:s2], $0x7D  }
0x180: {  	[sflag:s2] =	ssyncset.done $0x0  }
0x181: {  	[sflag:s2] =	ssyncadd.s32 $0xFFFFFF83  }
0x182: {  	_ =	swait.ge [sflag:s2], $0x7D  }
0x183: {  	[sflag:s2] =	ssyncset.done $0x0  }
0x184: {  	[sflag:s2] =	ssyncadd.s32 $0xFFFFFF83  }
0x185: {  	_ =	swait.ge [sflag:s2], $0x7D  }
0x186: {  	[sflag:s2] =	ssyncset.done $0x0  }
0x187: {  	[sflag:s2] =	ssyncadd.s32 $0xFFFFFF83  }
0x188: {  	_ =	swait.ge [sflag:s2], $0x7D  }
0x189: {  	s0 =	sld [smem:$0x7FC]  }
0x18a: {  	[sflag:s2] =	ssyncset.done $0x0  }
0x18b: {  	s4 =	sld [smem:$0x7FD];
	[sflag:s2] =	ssyncadd.s32 $0xFFFFFF83  }
0x18c: {  	[spmem:s1] =	stream.indirect.scatter.add.f32 [tilespmem:s6], [sflag:$0x1], $0x1, s0, s7, $0xb8;
	[tilespmem:$0x16F8] =	vst v63  }
0x18d: {  	_ = 	snop  }
0x18e: {  	[spmem:s1] =	stream.indirect.scatter.add.f32 [tilespmem:s6], [sflag:$0x1], $0x1, s4, s7, $0xb8;
	[tilespmem:$0x16F8] =	vst v63  }
0x18f: {  	_ = 	snop  }
0x190: {  	[spmem:s1] =	stream.indirect.scatter.add.f32 [tilespmem:s6], [sflag:$0x1], $0x1, s16, s7, $0xb8;
	[tilespmem:$0x16F8] =	vst v63  }
0x191: {  	_ = 	snop  }
0x192: {  	[spmem:s1] =	stream.indirect.scatter.add.f32 [tilespmem:s6], [sflag:$0x1], $0x1, s17, s7, $0xb8;
	[tilespmem:$0x16F8] =	vst v63  }
0x193: {  	_ = 	snop  }
0x194: {  	[spmem:s1] =	stream.indirect.scatter.add.f32 [tilespmem:s6], [sflag:$0x1], $0x1, s18, s7, $0xb8;
	[tilespmem:$0x16F8] =	vst v63  }
0x195: {  	_ = 	snop  }
0x196: {  	[spmem:s1] =	stream.indirect.scatter.add.f32 [tilespmem:s6], [sflag:$0x1], $0x1, s19, s7, $0xb8;
	[tilespmem:$0x16F8] =	vst v63  }
0x197: {  	_ = 	snop  }
0x198: {  	[spmem:s1] =	stream.indirect.scatter.add.f32 [tilespmem:s6], [sflag:$0x1], $0x1, s20, s7, $0xb8;
	[tilespmem:$0x16F8] =	vst v63  }
0x199: {  	_ = 	snop  }
0x19a: {  	[spmem:s1] =	stream.indirect.scatter.add.f32 [tilespmem:s6], [sflag:$0x1], $0x1, s21, s7, $0xb8;
	[tilespmem:$0x16F8] =	vst v63  }
0x19b: {  	_ =	swait.ge [sflag:s2], $0x7D  }
0x19c: {  	[sflag:s2] =	ssyncset.done $0x0  }
0x19d: {  	[sflag:s2] =	ssyncadd.s32 $0xFFFFFF83  }
0x19e: {  	_ =	swait.ge [sflag:s2], $0x7D  }
0x19f: {  	[sflag:s2] =	ssyncset.done $0x0  }
0x1a0: {  	[sflag:s2] =	ssyncadd.s32 $0xFFFFFF83  }
0x1a1: {  	_ =	swait.ge [sflag:s2], $0x7D  }
0x1a2: {  	[sflag:s2] =	ssyncset.done $0x0  }
0x1a3: {  	[sflag:s2] =	ssyncadd.s32 $0xFFFFFF83  }
0x1a4: {  	_ =	swait.ge [sflag:s2], $0x7D  }
0x1a5: {  	[sflag:s2] =	ssyncset.done $0x0  }
0x1a6: {  	[sflag:s2] =	ssyncadd.s32 $0xFFFFFF83  }
0x1a7: {  	_ =	swait.ge [sflag:s2], $0x7D  }
0x1a8: {  	[sflag:s2] =	ssyncset.done $0x0  }
0x1a9: {  	[sflag:s2] =	ssyncadd.s32 $0xFFFFFF83  }
0x1aa: {  	_ =	swait.ge [sflag:s2], $0x7D  }
0x1ab: {  	[sflag:s2] =	ssyncset.done $0x0  }
0x1ac: {  	[sflag:s2] =	ssyncadd.s32 $0xFFFFFF83  }
0x1ad: {  	_ =	swait.ge [sflag:s2], $0x7D  }
0x1ae: {  	[sflag:s2] =	ssyncset.done $0x0  }
0x1af: {  	[sflag:s2] =	ssyncadd.s32 $0xFFFFFF83  }
0x1b0: {  	_ =	swait.ge [sflag:s2], $0x7D  }
0x1b1: {  	[sflag:s2] =	ssyncset.done $0x0  }
0x1b2: {  	[sflag:s2] =	ssyncadd.s32 $0xFFFFFF83  }
0x1b3: {  	[spmem:s1] =	stream.indirect.scatter.add.f32 [tilespmem:s6], [sflag:$0x1], $0x1, s8, s7, $0xb8;
	[tilespmem:$0x16F8] =	vst v63  }
0x1b4: {  	_ = 	snop  }
0x1b5: {  	[spmem:s1] =	stream.indirect.scatter.add.f32 [tilespmem:s6], [sflag:$0x1], $0x1, s9, s7, $0xb8;
	[tilespmem:$0x16F8] =	vst v63  }
0x1b6: {  	_ = 	snop  }
0x1b7: {  	[spmem:s1] =	stream.indirect.scatter.add.f32 [tilespmem:s6], [sflag:$0x1], $0x1, s10, s7, $0xb8;
	[tilespmem:$0x16F8] =	vst v63  }
0x1b8: {  	_ = 	snop  }
0x1b9: {  	[spmem:s1] =	stream.indirect.scatter.add.f32 [tilespmem:s6], [sflag:$0x1], $0x1, s11, s7, $0xb8;
	[tilespmem:$0x16F8] =	vst v63  }
0x1ba: {  	_ = 	snop  }
0x1bb: {  	[spmem:s1] =	stream.indirect.scatter.add.f32 [tilespmem:s6], [sflag:$0x1], $0x1, s12, s7, $0xb8;
	[tilespmem:$0x16F8] =	vst v63  }
0x1bc: {  	_ = 	snop  }
0x1bd: {  	[spmem:s1] =	stream.indirect.scatter.add.f32 [tilespmem:s6], [sflag:$0x1], $0x1, s13, s7, $0xb8;
	[tilespmem:$0x16F8] =	vst v63  }
0x1be: {  	_ = 	snop  }
0x1bf: {  	[spmem:s1] =	stream.indirect.scatter.add.f32 [tilespmem:s6], [sflag:$0x1], $0x1, s14, s7, $0xb8;
	[tilespmem:$0x16F8] =	vst v63  }
0x1c0: {  	_ = 	snop  }
0x1c1: {  	[spmem:s1] =	stream.indirect.scatter.add.f32 [tilespmem:s6], [sflag:$0x1], $0x1, s15, s7, $0xb8;
	[tilespmem:$0x16F8] =	vst v63  }
0x1c2: {  	_ =	swait.ge [sflag:s2], $0x7D  }
0x1c3: {  	[sflag:s2] =	ssyncset.done $0x0  }
0x1c4: {  	[sflag:s2] =	ssyncadd.s32 $0xFFFFFF83  }
0x1c5: {  	_ =	swait.ge [sflag:s2], $0x7D  }
0x1c6: {  	[sflag:s2] =	ssyncset.done $0x0  }
0x1c7: {  	[sflag:s2] =	ssyncadd.s32 $0xFFFFFF83  }
0x1c8: {  	_ =	swait.ge [sflag:s2], $0x7D  }
0x1c9: {  	[sflag:s2] =	ssyncset.done $0x0  }
0x1ca: {  	[sflag:s2] =	ssyncadd.s32 $0xFFFFFF83  }
0x1cb: {  	_ =	swait.ge [sflag:s2], $0x7D  }
0x1cc: {  	[sflag:s2] =	ssyncset.done $0x0  }
0x1cd: {  	[sflag:s2] =	ssyncadd.s32 $0xFFFFFF83  }
0x1ce: {  	_ =	swait.ge [sflag:s2], $0x7D  }
0x1cf: {  	[sflag:s2] =	ssyncset.done $0x0  }
0x1d0: {  	[sflag:s2] =	ssyncadd.s32 $0xFFFFFF83  }
0x1d1: {  	_ =	swait.ge [sflag:s2], $0x7D  }
0x1d2: {  	[sflag:s2] =	ssyncset.done $0x0  }
0x1d3: {  	[sflag:s2] =	ssyncadd.s32 $0xFFFFFF83  }
0x1d4: {  	_ =	swait.ge [sflag:s2], $0x7D  }
0x1d5: {  	[sflag:s2] =	ssyncset.done $0x0  }
0x1d6: {  	[sflag:s2] =	ssyncadd.s32 $0xFFFFFF83  }
0x1d7: {  	_ =	swait.ge [sflag:s2], $0x7D  }
0x1d8: {  	[sflag:s2] =	ssyncset.done $0x0  }
0x1d9: {  	[sflag:s2] =	ssyncadd.s32 $0xFFFFFF83  }
0x1da: {  	[bflag:$0x0] =	sbarrier.arrive $0xFFFF  }
0x1db: {  	s30 =	sadd.s32 $0xFFFFFFFF, s30;
	s0 =	rddreg [dreg:$0x6]  }
0x1dc: {  	[hbm:s0], [sflag:s26] =	dma.local @!p2 [spmem:s5], $0x4F0  }
0x1dd: {  	p4 =	sne.s32 s30, $0x0;
	_ =	swait.ge @!p2 [sflag:s28], $0x4F0  }
.Ltmp2:
0x1de: {  	[sflag:s28] =	ssyncset.done @!p2 $0x0;
	(pc) =	sbr.rel @p4 .LBB2_4-.Ltmp2, $4  }
0x1df: {  	s0 =	rddreg [dreg:$0x7];
	[sflag:s28] =	ssyncadd.s32 @!p2 $0xFFFFFB10  }
0x1e0: {  	[hbm:s0], [sflag:s31] =	dma.local @p1 [spmem:s3], $0x4F0  }
0x1e1: {  	_ =	swait.ge @p1 [sflag:s29], $0x4F0  }
0x1e2: {  	s0 =	rddreg [dreg:$0x9];
	[sflag:s29] =	ssyncset.done @p1 $0x0  }
0x1e3: {  	s25 =	rddreg [dreg:$0x3]  }
0x1e4: {  	s28 =	sld [smem:$0x7FA]  }
.LBB2_6:
0x1e5: {  	p3 =	por !p1, !p3  }
0x1e6: {  	s4 =	rddreg [dreg:$0x4];
	s24 =	simm.s32 @!p0 $0x1C02;
	[sflag:s29] =	ssyncadd.s32 @!p3 $0xFFFFFB10  }
0x1e7: {  	[spmem:s0], [sflag:s24] =	dma.local @!p0 [hbm:s4], $0x4F0  }
0x1e8: {  	s0 =	simm.s32 @!p0 $0x2  }
0x1e9: {  	_ =	swait.ge @!p0 [sflag:s0], $0x4F0  }
0x1ea: {  	[sflag:s0] =	ssyncset.done @!p0 $0x0  }
0x1eb: {  	s31 =	rddreg [dreg:$0x8];
	[sflag:s0] =	ssyncadd.s32 @!p0 $0xFFFFFB10  }
0x1ec: {  	[tilespmem:s22], [sflag:$0x2] =	stream.linear.gather [hbm4b:s31+s22], $0x1400, $0x38;
	[tilespmem:$0x16F8] =	vst v63  }
0x1ed: {  	_ =	swait.ge [sflag:s23], $0x1400  }
0x1ee: {  	[sflag:s23] =	ssyncset.done $0x0  }
0x1ef: {  	s24 =	rddreg [dreg:$0x5];
	[sflag:s23] =	ssyncadd.s32 $0xFFFFEC00  }
0x1f0: {  	[tilespmem:s6], [sflag:$0x2] =	stream.linear.gather [hbm4b:s24+s22], $0x80, $0x38;
	[tilespmem:$0x16F8] =	vst v63  }
0x1f1: {  	_ =	swait.ge [sflag:s23], $0x80  }
0x1f2: {  	[sflag:s23] =	ssyncset.done $0x0  }
0x1f3: {  	[sflag:s23] =	ssyncadd.s32 $0xFFFFFF80  }
0x1f4: {  	[bflag:$0x0] =	sbarrier.arrive $0xFFFF  }
0x1f5: {  	[spmem:s1] =	stream.indirect.scatter.add.f32 [tilespmem:s6], [sflag:$0x1], $0x1, s22, s7, $0xb8;
	[tilespmem:$0x16F8] =	vst v63  }
0x1f6: {  	s26 =	rddreg [dreg:$0xa]  }
0x1f7: {  	[spmem:s1] =	stream.indirect.scatter.add.f32 [tilespmem:s6], [sflag:$0x1], $0x1, s26, s7, $0xb8;
	[tilespmem:$0x16F8] =	vst v63  }
0x1f8: {  	s29 =	rddreg [dreg:$0xb]  }
0x1f9: {  	[spmem:s1] =	stream.indirect.scatter.add.f32 [tilespmem:s6], [sflag:$0x1], $0x1, s29, s7, $0xb8;
	[tilespmem:$0x16F8] =	vst v63  }
0x1fa: {  	s30 =	rddreg [dreg:$0xc]  }
0x1fb: {  	[spmem:s1] =	stream.indirect.scatter.add.f32 [tilespmem:s6], [sflag:$0x1], $0x1, s30, s7, $0xb8;
	[tilespmem:$0x16F8] =	vst v63  }
0x1fc: {  	s31 =	rddreg [dreg:$0xd]  }
0x1fd: {  	[spmem:s1] =	stream.indirect.scatter.add.f32 [tilespmem:s6], [sflag:$0x1], $0x1, s31, s7, $0xb8;
	[tilespmem:$0x16F8] =	vst v63  }
0x1fe: {  	s22 =	rddreg [dreg:$0xe]  }
0x1ff: {  	[spmem:s1] =	stream.indirect.scatter.add.f32 [tilespmem:s6], [sflag:$0x1], $0x1, s22, s7, $0xb8;
	[tilespmem:$0x16F8] =	vst v63  }
0x200: {  	s23 =	rddreg [dreg:$0xf]  }
0x201: {  	[spmem:s1] =	stream.indirect.scatter.add.f32 [tilespmem:s6], [sflag:$0x1], $0x1, s23, s7, $0xb8;
	[tilespmem:$0x16F8] =	vst v63  }
0x202: {  	s24 =	rddreg [dreg:$0x10]  }
0x203: {  	[spmem:s1] =	stream.indirect.scatter.add.f32 [tilespmem:s6], [sflag:$0x1], $0x1, s24, s7, $0xb8;
	[tilespmem:$0x16F8] =	vst v63  }
0x204: {  	_ =	swait.ge [sflag:s2], $0x7D  }
0x205: {  	[sflag:s2] =	ssyncset.done $0x0  }
0x206: {  	[sflag:s2] =	ssyncadd.s32 $0xFFFFFF83  }
0x207: {  	_ =	swait.ge [sflag:s2], $0x7D  }
0x208: {  	[sflag:s2] =	ssyncset.done $0x0  }
0x209: {  	[sflag:s2] =	ssyncadd.s32 $0xFFFFFF83  }
0x20a: {  	_ =	swait.ge [sflag:s2], $0x7D  }
0x20b: {  	[sflag:s2] =	ssyncset.done $0x0  }
0x20c: {  	[sflag:s2] =	ssyncadd.s32 $0xFFFFFF83  }
0x20d: {  	_ =	swait.ge [sflag:s2], $0x7D  }
0x20e: {  	[sflag:s2] =	ssyncset.done $0x0  }
0x20f: {  	[sflag:s2] =	ssyncadd.s32 $0xFFFFFF83  }
0x210: {  	_ =	swait.ge [sflag:s2], $0x7D  }
0x211: {  	[sflag:s2] =	ssyncset.done $0x0  }
0x212: {  	[sflag:s2] =	ssyncadd.s32 $0xFFFFFF83  }
0x213: {  	_ =	swait.ge [sflag:s2], $0x7D  }
0x214: {  	[sflag:s2] =	ssyncset.done $0x0  }
0x215: {  	[sflag:s2] =	ssyncadd.s32 $0xFFFFFF83  }
0x216: {  	_ =	swait.ge [sflag:s2], $0x7D  }
0x217: {  	[sflag:s2] =	ssyncset.done $0x0  }
0x218: {  	[sflag:s2] =	ssyncadd.s32 $0xFFFFFF83  }
0x219: {  	_ =	swait.ge [sflag:s2], $0x7D  }
0x21a: {  	[sflag:s2] =	ssyncset.done $0x0  }
0x21b: {  	s26 =	rddreg [dreg:$0x11];
	[sflag:s2] =	ssyncadd.s32 $0xFFFFFF83  }
0x21c: {  	[spmem:s1] =	stream.indirect.scatter.add.f32 [tilespmem:s6], [sflag:$0x1], $0x1, s26, s7, $0xb8;
	[tilespmem:$0x16F8] =	vst v63  }
0x21d: {  	s29 =	rddreg [dreg:$0x12]  }
0x21e: {  	[spmem:s1] =	stream.indirect.scatter.add.f32 [tilespmem:s6], [sflag:$0x1], $0x1, s29, s7, $0xb8;
	[tilespmem:$0x16F8] =	vst v63  }
0x21f: {  	s30 =	rddreg [dreg:$0x13]  }
0x220: {  	[spmem:s1] =	stream.indirect.scatter.add.f32 [tilespmem:s6], [sflag:$0x1], $0x1, s30, s7, $0xb8;
	[tilespmem:$0x16F8] =	vst v63  }
0x221: {  	s31 =	rddreg [dreg:$0x14]  }
0x222: {  	[spmem:s1] =	stream.indirect.scatter.add.f32 [tilespmem:s6], [sflag:$0x1], $0x1, s31, s7, $0xb8;
	[tilespmem:$0x16F8] =	vst v63  }
0x223: {  	s22 =	rddreg [dreg:$0x15]  }
0x224: {  	[spmem:s1] =	stream.indirect.scatter.add.f32 [tilespmem:s6], [sflag:$0x1], $0x1, s22, s7, $0xb8;
	[tilespmem:$0x16F8] =	vst v63  }
0x225: {  	s23 =	rddreg [dreg:$0x16]  }
0x226: {  	[spmem:s1] =	stream.indirect.scatter.add.f32 [tilespmem:s6], [sflag:$0x1], $0x1, s23, s7, $0xb8;
	[tilespmem:$0x16F8] =	vst v63  }
0x227: {  	s24 =	rddreg [dreg:$0x17]  }
0x228: {  	[spmem:s1] =	stream.indirect.scatter.add.f32 [tilespmem:s6], [sflag:$0x1], $0x1, s24, s7, $0xb8;
	[tilespmem:$0x16F8] =	vst v63  }
0x229: {  	s26 =	rddreg [dreg:$0x18]  }
0x22a: {  	[spmem:s1] =	stream.indirect.scatter.add.f32 [tilespmem:s6], [sflag:$0x1], $0x1, s26, s7, $0xb8;
	[tilespmem:$0x16F8] =	vst v63  }
0x22b: {  	_ =	swait.ge [sflag:s2], $0x7D  }
0x22c: {  	[sflag:s2] =	ssyncset.done $0x0  }
0x22d: {  	[sflag:s2] =	ssyncadd.s32 $0xFFFFFF83  }
0x22e: {  	_ =	swait.ge [sflag:s2], $0x7D  }
0x22f: {  	[sflag:s2] =	ssyncset.done $0x0  }
0x230: {  	[sflag:s2] =	ssyncadd.s32 $0xFFFFFF83  }
0x231: {  	_ =	swait.ge [sflag:s2], $0x7D  }
0x232: {  	[sflag:s2] =	ssyncset.done $0x0  }
0x233: {  	[sflag:s2] =	ssyncadd.s32 $0xFFFFFF83  }
0x234: {  	_ =	swait.ge [sflag:s2], $0x7D  }
0x235: {  	[sflag:s2] =	ssyncset.done $0x0  }
0x236: {  	[sflag:s2] =	ssyncadd.s32 $0xFFFFFF83  }
0x237: {  	_ =	swait.ge [sflag:s2], $0x7D  }
0x238: {  	[sflag:s2] =	ssyncset.done $0x0  }
0x239: {  	[sflag:s2] =	ssyncadd.s32 $0xFFFFFF83  }
0x23a: {  	_ =	swait.ge [sflag:s2], $0x7D  }
0x23b: {  	[sflag:s2] =	ssyncset.done $0x0  }
0x23c: {  	[sflag:s2] =	ssyncadd.s32 $0xFFFFFF83  }
0x23d: {  	_ =	swait.ge [sflag:s2], $0x7D  }
0x23e: {  	[sflag:s2] =	ssyncset.done $0x0  }
0x23f: {  	[sflag:s2] =	ssyncadd.s32 $0xFFFFFF83  }
0x240: {  	_ =	swait.ge [sflag:s2], $0x7D  }
0x241: {  	s29 =	rddreg [dreg:$0x19];
	[sflag:s2] =	ssyncset.done $0x0  }
0x242: {  	s30 =	rddreg [dreg:$0x1a];
	[sflag:s2] =	ssyncadd.s32 $0xFFFFFF83  }
0x243: {  	[spmem:s1] =	stream.indirect.scatter.add.f32 [tilespmem:s6], [sflag:$0x1], $0x1, s29, s7, $0xb8;
	[tilespmem:$0x16F8] =	vst v63  }
0x244: {  	s31 =	rddreg [dreg:$0x1b]  }
0x245: {  	[spmem:s1] =	stream.indirect.scatter.add.f32 [tilespmem:s6], [sflag:$0x1], $0x1, s30, s7, $0xb8;
	[tilespmem:$0x16F8] =	vst v63  }
0x246: {  	s22 =	rddreg [dreg:$0x1c]  }
0x247: {  	[spmem:s1] =	stream.indirect.scatter.add.f32 [tilespmem:s6], [sflag:$0x1], $0x1, s31, s7, $0xb8;
	[tilespmem:$0x16F8] =	vst v63  }
0x248: {  	s23 =	rddreg [dreg:$0x1d]  }
0x249: {  	[spmem:s1] =	stream.indirect.scatter.add.f32 [tilespmem:s6], [sflag:$0x1], $0x1, s22, s7, $0xb8;
	[tilespmem:$0x16F8] =	vst v63  }
0x24a: {  	s24 =	rddreg [dreg:$0x1e]  }
0x24b: {  	[spmem:s1] =	stream.indirect.scatter.add.f32 [tilespmem:s6], [sflag:$0x1], $0x1, s23, s7, $0xb8;
	[tilespmem:$0x16F8] =	vst v63  }
0x24c: {  	s26 =	rddreg [dreg:$0x1f]  }
0x24d: {  	[spmem:s1] =	stream.indirect.scatter.add.f32 [tilespmem:s6], [sflag:$0x1], $0x1, s24, s7, $0xb8;
	[tilespmem:$0x16F8] =	vst v63  }
0x24e: {  	s29 =	sld [smem:$0x7FB]  }
0x24f: {  	[spmem:s1] =	stream.indirect.scatter.add.f32 [tilespmem:s6], [sflag:$0x1], $0x1, s26, s7, $0xb8;
	[tilespmem:$0x16F8] =	vst v63  }
0x250: {  	_ = 	snop  }
0x251: {  	[spmem:s1] =	stream.indirect.scatter.add.f32 [tilespmem:s6], [sflag:$0x1], $0x1, s29, s7, $0xb8;
	[tilespmem:$0x16F8] =	vst v63  }
0x252: {  	_ =	swait.ge [sflag:s2], $0x7D  }
0x253: {  	[sflag:s2] =	ssyncset.done $0x0  }
0x254: {  	[sflag:s2] =	ssyncadd.s32 $0xFFFFFF83  }
0x255: {  	_ =	swait.ge [sflag:s2], $0x7D  }
0x256: {  	[sflag:s2] =	ssyncset.done $0x0  }
0x257: {  	[sflag:s2] =	ssyncadd.s32 $0xFFFFFF83  }
0x258: {  	_ =	swait.ge [sflag:s2], $0x7D  }
0x259: {  	[sflag:s2] =	ssyncset.done $0x0  }
0x25a: {  	[sflag:s2] =	ssyncadd.s32 $0xFFFFFF83  }
0x25b: {  	_ =	swait.ge [sflag:s2], $0x7D  }
0x25c: {  	[sflag:s2] =	ssyncset.done $0x0  }
0x25d: {  	[sflag:s2] =	ssyncadd.s32 $0xFFFFFF83  }
0x25e: {  	_ =	swait.ge [sflag:s2], $0x7D  }
0x25f: {  	[sflag:s2] =	ssyncset.done $0x0  }
0x260: {  	[sflag:s2] =	ssyncadd.s32 $0xFFFFFF83  }
0x261: {  	_ =	swait.ge [sflag:s2], $0x7D  }
0x262: {  	[sflag:s2] =	ssyncset.done $0x0  }
0x263: {  	[sflag:s2] =	ssyncadd.s32 $0xFFFFFF83  }
0x264: {  	_ =	swait.ge [sflag:s2], $0x7D  }
0x265: {  	[sflag:s2] =	ssyncset.done $0x0  }
0x266: {  	[sflag:s2] =	ssyncadd.s32 $0xFFFFFF83  }
0x267: {  	_ =	swait.ge [sflag:s2], $0x7D  }
0x268: {  	s30 =	sld [smem:$0x7FC]  }
0x269: {  	[sflag:s2] =	ssyncset.done $0x0  }
0x26a: {  	s31 =	sld [smem:$0x7FD];
	[sflag:s2] =	ssyncadd.s32 $0xFFFFFF83  }
0x26b: {  	[spmem:s1] =	stream.indirect.scatter.add.f32 [tilespmem:s6], [sflag:$0x1], $0x1, s30, s7, $0xb8;
	[tilespmem:$0x16F8] =	vst v63  }
0x26c: {  	_ = 	snop  }
0x26d: {  	[spmem:s1] =	stream.indirect.scatter.add.f32 [tilespmem:s6], [sflag:$0x1], $0x1, s31, s7, $0xb8;
	[tilespmem:$0x16F8] =	vst v63  }
0x26e: {  	_ = 	snop  }
0x26f: {  	[spmem:s1] =	stream.indirect.scatter.add.f32 [tilespmem:s6], [sflag:$0x1], $0x1, s16, s7, $0xb8;
	[tilespmem:$0x16F8] =	vst v63  }
0x270: {  	_ = 	snop  }
0x271: {  	[spmem:s1] =	stream.indirect.scatter.add.f32 [tilespmem:s6], [sflag:$0x1], $0x1, s17, s7, $0xb8;
	[tilespmem:$0x16F8] =	vst v63  }
0x272: {  	_ = 	snop  }
0x273: {  	[spmem:s1] =	stream.indirect.scatter.add.f32 [tilespmem:s6], [sflag:$0x1], $0x1, s18, s7, $0xb8;
	[tilespmem:$0x16F8] =	vst v63  }
0x274: {  	_ = 	snop  }
0x275: {  	[spmem:s1] =	stream.indirect.scatter.add.f32 [tilespmem:s6], [sflag:$0x1], $0x1, s19, s7, $0xb8;
	[tilespmem:$0x16F8] =	vst v63  }
0x276: {  	_ = 	snop  }
0x277: {  	[spmem:s1] =	stream.indirect.scatter.add.f32 [tilespmem:s6], [sflag:$0x1], $0x1, s20, s7, $0xb8;
	[tilespmem:$0x16F8] =	vst v63  }
0x278: {  	_ = 	snop  }
0x279: {  	[spmem:s1] =	stream.indirect.scatter.add.f32 [tilespmem:s6], [sflag:$0x1], $0x1, s21, s7, $0xb8;
	[tilespmem:$0x16F8] =	vst v63  }
0x27a: {  	_ =	swait.ge [sflag:s2], $0x7D  }
0x27b: {  	[sflag:s2] =	ssyncset.done $0x0  }
0x27c: {  	[sflag:s2] =	ssyncadd.s32 $0xFFFFFF83  }
0x27d: {  	_ =	swait.ge [sflag:s2], $0x7D  }
0x27e: {  	[sflag:s2] =	ssyncset.done $0x0  }
0x27f: {  	[sflag:s2] =	ssyncadd.s32 $0xFFFFFF83  }
0x280: {  	_ =	swait.ge [sflag:s2], $0x7D  }
0x281: {  	[sflag:s2] =	ssyncset.done $0x0  }
0x282: {  	[sflag:s2] =	ssyncadd.s32 $0xFFFFFF83  }
0x283: {  	_ =	swait.ge [sflag:s2], $0x7D  }
0x284: {  	[sflag:s2] =	ssyncset.done $0x0  }
0x285: {  	[sflag:s2] =	ssyncadd.s32 $0xFFFFFF83  }
0x286: {  	_ =	swait.ge [sflag:s2], $0x7D  }
0x287: {  	[sflag:s2] =	ssyncset.done $0x0  }
0x288: {  	[sflag:s2] =	ssyncadd.s32 $0xFFFFFF83  }
0x289: {  	_ =	swait.ge [sflag:s2], $0x7D  }
0x28a: {  	[sflag:s2] =	ssyncset.done $0x0  }
0x28b: {  	[sflag:s2] =	ssyncadd.s32 $0xFFFFFF83  }
0x28c: {  	_ =	swait.ge [sflag:s2], $0x7D  }
0x28d: {  	[sflag:s2] =	ssyncset.done $0x0  }
0x28e: {  	[sflag:s2] =	ssyncadd.s32 $0xFFFFFF83  }
0x28f: {  	_ =	swait.ge [sflag:s2], $0x7D  }
0x290: {  	[sflag:s2] =	ssyncset.done $0x0  }
0x291: {  	[sflag:s2] =	ssyncadd.s32 $0xFFFFFF83  }
0x292: {  	[spmem:s1] =	stream.indirect.scatter.add.f32 [tilespmem:s6], [sflag:$0x1], $0x1, s8, s7, $0xb8;
	[tilespmem:$0x16F8] =	vst v63  }
0x293: {  	_ = 	snop  }
0x294: {  	[spmem:s1] =	stream.indirect.scatter.add.f32 [tilespmem:s6], [sflag:$0x1], $0x1, s9, s7, $0xb8;
	[tilespmem:$0x16F8] =	vst v63  }
0x295: {  	_ = 	snop  }
0x296: {  	[spmem:s1] =	stream.indirect.scatter.add.f32 [tilespmem:s6], [sflag:$0x1], $0x1, s10, s7, $0xb8;
	[tilespmem:$0x16F8] =	vst v63  }
0x297: {  	_ = 	snop  }
0x298: {  	[spmem:s1] =	stream.indirect.scatter.add.f32 [tilespmem:s6], [sflag:$0x1], $0x1, s11, s7, $0xb8;
	[tilespmem:$0x16F8] =	vst v63  }
0x299: {  	_ = 	snop  }
0x29a: {  	[spmem:s1] =	stream.indirect.scatter.add.f32 [tilespmem:s6], [sflag:$0x1], $0x1, s12, s7, $0xb8;
	[tilespmem:$0x16F8] =	vst v63  }
0x29b: {  	_ = 	snop  }
0x29c: {  	[spmem:s1] =	stream.indirect.scatter.add.f32 [tilespmem:s6], [sflag:$0x1], $0x1, s13, s7, $0xb8;
	[tilespmem:$0x16F8] =	vst v63  }
0x29d: {  	_ = 	snop  }
0x29e: {  	[spmem:s1] =	stream.indirect.scatter.add.f32 [tilespmem:s6], [sflag:$0x1], $0x1, s14, s7, $0xb8;
	[tilespmem:$0x16F8] =	vst v63  }
0x29f: {  	_ = 	snop  }
0x2a0: {  	[spmem:s1] =	stream.indirect.scatter.add.f32 [tilespmem:s6], [sflag:$0x1], $0x1, s15, s7, $0xb8;
	[tilespmem:$0x16F8] =	vst v63  }
0x2a1: {  	_ =	swait.ge [sflag:s2], $0x7D  }
0x2a2: {  	[sflag:s2] =	ssyncset.done $0x0  }
0x2a3: {  	[sflag:s2] =	ssyncadd.s32 $0xFFFFFF83  }
0x2a4: {  	_ =	swait.ge [sflag:s2], $0x7D  }
0x2a5: {  	[sflag:s2] =	ssyncset.done $0x0  }
0x2a6: {  	[sflag:s2] =	ssyncadd.s32 $0xFFFFFF83  }
0x2a7: {  	_ =	swait.ge [sflag:s2], $0x7D  }
0x2a8: {  	[sflag:s2] =	ssyncset.done $0x0  }
0x2a9: {  	[sflag:s2] =	ssyncadd.s32 $0xFFFFFF83  }
0x2aa: {  	_ =	swait.ge [sflag:s2], $0x7D  }
0x2ab: {  	[sflag:s2] =	ssyncset.done $0x0  }
0x2ac: {  	[sflag:s2] =	ssyncadd.s32 $0xFFFFFF83  }
0x2ad: {  	_ =	swait.ge [sflag:s2], $0x7D  }
0x2ae: {  	[sflag:s2] =	ssyncset.done $0x0  }
0x2af: {  	[sflag:s2] =	ssyncadd.s32 $0xFFFFFF83  }
0x2b0: {  	_ =	swait.ge [sflag:s2], $0x7D  }
0x2b1: {  	[sflag:s2] =	ssyncset.done $0x0  }
0x2b2: {  	[sflag:s2] =	ssyncadd.s32 $0xFFFFFF83  }
0x2b3: {  	_ =	swait.ge [sflag:s2], $0x7D  }
0x2b4: {  	[sflag:s2] =	ssyncset.done $0x0  }
0x2b5: {  	[sflag:s2] =	ssyncadd.s32 $0xFFFFFF83  }
0x2b6: {  	_ =	swait.ge [sflag:s2], $0x7D  }
0x2b7: {  	[sflag:s2] =	ssyncset.done $0x0  }
0x2b8: {  	[sflag:s2] =	ssyncadd.s32 $0xFFFFFF83  }
0x2b9: {  	[bflag:$0x0] =	sbarrier.arrive $0xFFFF  }
0x2ba: {  	s1 =	sor.u32 @!p2 $0x1C02, s28;
	s0 =	rddreg [dreg:$0x6]  }
0x2bb: {  	[hbm:s0], [sflag:s1] =	dma.local @!p2 [spmem:s5], $0x4F0  }
0x2bc: {  	s0 =	simm.s32 @!p2 $0x2  }
0x2bd: {  	_ =	swait.ge @!p2 [sflag:s0], $0x4F0  }
0x2be: {  	[sflag:s0] =	ssyncset.done @!p2 $0x0  }
0x2bf: {  	s1 =	rddreg [dreg:$0x7];
	[sflag:s0] =	ssyncadd.s32 @!p2 $0xFFFFFB10;
	s0 =	simm.s32 @p1 $0x1C02  }
0x2c0: {  	[hbm:s1], [sflag:s0] =	dma.local @p1 [spmem:s3], $0x4F0  }
0x2c1: {  	s0 =	simm.s32 @p1 $0x2  }
0x2c2: {  	_ =	swait.ge @p1 [sflag:s0], $0x4F0  }
0x2c3: {  	[sflag:s0] =	ssyncset.done @p1 $0x0  }
0x2c4: {  	[sflag:s0] =	ssyncadd.s32 @p1 $0xFFFFFB10  }
0x2c5: {  	_ =	sfence.sel $0x180000  }
0x2c6: {  	[bflag:$0x0] =	sbarrier.arrive $0xFFFF  }
0x2c7: {  	_ =	strace $0x90000047  }
0x2c8: {  	s0 =	sadd.s32 @!p0 $0x100000, s25;
	[bflag:$0x2] =	sbarrier.arrive $0xFFFF  }
0x2c9: {  	[sflag:s0] =	ssyncadd.tile.s32 @!p0 $0x1;
	_ =	shalt  }
.LBB2_1:
.Ltmp3:
0x2ca: {  	(pc) =	sbr.rel .LBB2_6-.Ltmp3, $2  }
0x2cb: {  	_ =	sdelay $0x2  }
0x2cc: {  	_ = 	snop  }
.LBB2_3:
.Ltmp4:
0x2cd: {  	(pc) =	sbr.rel .LBB2_6-.Ltmp4, $3  }
0x2ce: {  	_ =	sdelay $0x1  }
0x2cf: {  	s25 =	rddreg [dreg:$0x3]  }
0x2d0: {  	s28 =	sld [smem:$0x7FA]  }
.Lfunc_end2:
_tile_overlayer_lowered:
.L_overlay_start_2:
0x2d1: {  	(tag) =	ssettag $0x2  }
0x2d2: {  	s0 =	rddreg [dreg:$0x0];
	s2 =	stileid.u32  }
0x2d3: {  	s1 =	rddreg [dreg:$0x1];
	p0 =	sne.s32 s2, $0x0  }
0x2d4: {  	s3 =	rddreg [dreg:$0x2];
	[bflag:$0x3] =	sbarrier.arrive $0xFFFF;
	s2 =	simm.s32 @!p0 $0x1C02  }
0x2d5: {  	[timem:s3], [sflag:s2] =	dma.local @!p0 [hbm:s0], s1  }
0x2d6: {  	s0 =	simm.s32 @!p0 $0x2  }
0x2d7: {  	_ =	swait.ge @!p0 [sflag:s0], s1  }
0x2d8: {  	s1 =	ssub.s32 @!p0 $0x0, s1;
	[sflag:s0] =	ssyncset.done @!p0 $0x0  }
0x2d9: {  	[sflag:s0] =	ssyncadd.s32 @!p0 s1  }
0x2da: {  	[bflag:$0x3] =	sbarrier.arrive $0xFFFF  }
0x2db: {  	_ =	shalt  }

// kernel: kernel.8.cloned.1.call-start
scs
__scs_entry_jumppad:
0x0: {  	(pc) =	sbr.rel $0x88, $3  }
0x1: {  	(tag) =	ssettag $0x0;
	lr =	simm.s32 $0x1  }
0x2: {  	[smem:$0x3F9D] =	sst lr;
	_ =	strace $0xD0000000  }
0x3: {  	_ = 	snop  }
0x4: {  	_ = 	snop  }
0x5: {  	_ = 	snop  }
0x6: {  	_ = 	snop  }
0x7: {  	_ = 	snop  }
__scs_overlays_trampoline_lowered:
0x8: {  	[smem:$0x3FAC] =	sst s0  }
0x9: {  	[smem:$0x3FAD] =	sst s1  }
0xa: {  	[smem:$0x3FAE] =	sst s2  }
0xb: {  	[smem:$0x3FAF] =	sst s3  }
0xc: {  	[smem:$0x3FB0] =	sst s4  }
0xd: {  	[smem:$0x3FB1] =	sst s5  }
0xe: {  	[smem:$0x3FB2] =	sst s6  }
0xf: {  	[smem:$0x3FB3] =	sst s7  }
0x10: {  	[smem:$0x3FB4] =	sst s8  }
0x11: {  	[smem:$0x3FB5] =	sst s9;
	s0 =	simm.s32 @!p0 $0x0  }
0x12: {  	s1 =	sld [smem:$0x3F9B];
	s0 =	simm.s32 @p0 $0x1  }
0x13: {  	[smem:$0x3FB6] =	sst s0;
	s0 =	simm.s32 @!p1 $0x0  }
0x14: {  	s2 =	sld [smem:$0x3F9A];
	s0 =	simm.s32 @p1 $0x1  }
0x15: {  	[smem:$0x3FB7] =	sst s0;
	s0 =	simm.s32 @!p2 $0x0  }
0x16: {  	s3 =	sld [smem:$0x3FDB];
	s0 =	simm.s32 @p2 $0x1  }
0x17: {  	s4 =	simm.s32 $0x1BF5;
	[smem:$0x3FB9] =	sst s0  }
0x18: {  	s0 =	sld [smem:$0x3F9C];
	_ =	swait.ge [sflag:s4], $0x0  }
0x19: {  	s7 =	sld [smem:$0x3F9D]  }
0x1a: {  	s8 =	sadd.s32 $0xFFFFE003, lr  }
0x1b: {  	s9 =	sadd.s32 $0xFFFFFEF7, lr;
	s5 =	simm.s32 $0xFFFFFFFF;
	p2 =	slt.u32 s8, $0xFFFFF086  }
0x1c: {  	p1 =	slt.u32 s9, $0xF7A;
	s5 =	simm.s32 @!p2 $0x0  }
0x1d: {  	s5 =	simm.s32 @p1 $0x1;
	p0 =	seq.s32 s7, s2  }
0x1e: {  	s7 =	smul.u32 @!p0 $0xF7A, s2;
	p2 =	seq.s32 @!p0 s5, $0x0  }
0x1f: {  	s9 =	smul.u32 $0xF7A, s1;
	s8 =	simm.s32 @!p0 $0x1BF5;
	p2 =	por !p2, p0  }
0x20: {  	[sflag:s8] =	ssyncset.s32 @!p0 $0xFFFFF086;
	s6 =	sadd.s32 @!p0 s3, s7;
	s7 =	simm.s32 @!p0 $0x108  }
0x21: {  	s3 =	sadd.s32 s3, s9;
	s6 =	sadd.s32 @!p0 $0x88, s6;
	s7 =	simm.s32 @p2 $0x1082  }
0x22: {  	[simem:s7], [sflag:s8] =	dma.local @!p0 [hbm:s6], $0xF7A  }
0x23: {  	s9 =	sor.u32 $0xD0000000, s2;
	s6 =	simm.s32 $0x108;
	_ =	swait.ge @!p0 [sflag:s8], $0x0  }
0x24: {  	s3 =	sadd.s32 $0x88, s3;
	s6 =	simm.s32 @!p1 $0x1082;
	[sflag:s4] =	ssyncset.s32 $0xFFFFF086  }
0x25: {  	[simem:s6], [sflag:s4] =	dma.local [hbm:s3], $0xF7A  }
0x26: {  	[smem:$0x3F9D] =	sst s1;
	(tag) =	ssettag s2;
	_ =	strace s9  }
0x27: {  	s1 =	sld [smem:$0x3FAD]  }
0x28: {  	s2 =	sld [smem:$0x3FAE]  }
0x29: {  	s4 =	sld [smem:$0x3FB0]  }
0x2a: {  	p0 =	seq.s32 s5, $0x0;
	s5 =	sld [smem:$0x3FB1]  }
0x2b: {  	s6 =	sld [smem:$0x3FB2]  }
0x2c: {  	s7 =	sld [smem:$0x3FB3]  }
0x2d: {  	s3 =	simm.s32 $0x108;
	s8 =	sld [smem:$0x3FB4]  }
0x2e: {  	s3 =	simm.s32 @!p0 $0x1082;
	s9 =	sld [smem:$0x3FB5]  }
0x2f: {  	lr =	sadd.s32 s0, s3;
	s0 =	sld [smem:$0x3FAC]  }
0x30: {  	s3 =	sld [smem:$0x3FAF]  }
0x31: {  	[smem:$0x3FB8] =	sst s10  }
0x32: {  	s10 =	sld [smem:$0x3FB6];
	_ =	sdelay $0x3  }
0x33: {  	p0 =	seq.s32 s10, $0x1;
	s10 =	sld [smem:$0x3FB8];
	_ =	sdelay $0x3  }
0x34: {  	[smem:$0x3FB8] =	sst s10  }
0x35: {  	s10 =	sld [smem:$0x3FB7];
	_ =	sdelay $0x3  }
0x36: {  	p1 =	seq.s32 s10, $0x1;
	s10 =	sld [smem:$0x3FB8];
	_ =	sdelay $0x3  }
0x37: {  	[smem:$0x3FB8] =	sst s10  }
0x38: {  	s10 =	sld [smem:$0x3FB9]  }
0x39: {  	_ = 	snop;
	(pc) =	sbr.ind lr, $3  }
0x3a: {  	_ = 	snop  }
0x3b: {  	_ = 	snop  }
0x3c: {  	p2 =	seq.s32 s10, $0x1;
	s10 =	sld [smem:$0x3FB8]  }
0x3d: {  	_ =	shalt  }
0x3e: {  	_ =	shalt  }
0x3f: {  	_ =	shalt  }
0x40: {  	_ =	shalt  }
0x41: {  	_ =	shalt  }
0x42: {  	_ =	shalt  }
0x43: {  	_ =	shalt  }
0x44: {  	_ =	shalt  }
0x45: {  	_ =	shalt  }
0x46: {  	_ =	shalt  }
0x47: {  	_ =	shalt  }
0x48: {  	_ =	shalt  }
0x49: {  	_ =	shalt  }
0x4a: {  	_ =	shalt  }
0x4b: {  	_ =	shalt  }
0x4c: {  	_ =	shalt  }
0x4d: {  	_ =	shalt  }
0x4e: {  	_ =	shalt  }
0x4f: {  	_ =	shalt  }
0x50: {  	_ =	shalt  }
0x51: {  	_ =	shalt  }
0x52: {  	_ =	shalt  }
0x53: {  	_ =	shalt  }
0x54: {  	_ =	shalt  }
0x55: {  	_ =	shalt  }
0x56: {  	_ =	shalt  }
0x57: {  	_ =	shalt  }
0x58: {  	_ =	shalt  }
0x59: {  	_ =	shalt  }
0x5a: {  	_ =	shalt  }
0x5b: {  	_ =	shalt  }
0x5c: {  	_ =	shalt  }
0x5d: {  	_ =	shalt  }
0x5e: {  	_ =	shalt  }
0x5f: {  	_ =	shalt  }
0x60: {  	_ =	shalt  }
0x61: {  	_ =	shalt  }
0x62: {  	_ =	shalt  }
0x63: {  	_ =	shalt  }
0x64: {  	_ =	shalt  }
0x65: {  	_ =	shalt  }
0x66: {  	_ =	shalt  }
0x67: {  	_ =	shalt  }
0x68: {  	_ =	shalt  }
0x69: {  	_ =	shalt  }
0x6a: {  	_ =	shalt  }
0x6b: {  	_ =	shalt  }
0x6c: {  	_ =	shalt  }
0x6d: {  	_ =	shalt  }
0x6e: {  	_ =	shalt  }
0x6f: {  	_ =	shalt  }
0x70: {  	_ =	shalt  }
0x71: {  	_ =	shalt  }
0x72: {  	_ =	shalt  }
0x73: {  	_ =	shalt  }
0x74: {  	_ =	shalt  }
0x75: {  	_ =	shalt  }
0x76: {  	_ =	shalt  }
0x77: {  	_ =	shalt  }
0x78: {  	_ =	shalt  }
0x79: {  	_ =	shalt  }
0x7a: {  	_ =	shalt  }
0x7b: {  	_ =	shalt  }
0x7c: {  	_ =	shalt  }
0x7d: {  	_ =	shalt  }
0x7e: {  	_ =	shalt  }
0x7f: {  	_ =	shalt  }
0x80: {  	_ =	shalt  }
0x81: {  	_ =	shalt  }
0x82: {  	_ =	shalt  }
0x83: {  	_ =	shalt  }
0x84: {  	_ =	shalt  }
0x85: {  	_ =	shalt  }
0x86: {  	_ =	shalt  }
0x87: {  	_ =	shalt  }
.Lfunc_end0:
.L_simem_size_0:
called_computation.1_lowered:
.L_overlay_start_0:
0x88: {  	s2 =	sld [smem:$0x3FD9]  }
0x89: {  	s3 =	sld [smem:$0x3FFE];
	_ =	sdelay $0x1  }
0x8a: {  	s1 =	srdreg.scid  }
0x8b: {  	s0 =	sand.u32 $0x1, s1  }
0x8c: {  	s17 =	sshll.u32 s0, $0xA;
	s2 =	sadd.s32 s3, s2  }
0x8d: {  	s2 =	sadd.s32 s2, s17  }
0x8e: {  	[smem:$0x3FC4] =	sst s2  }
0x8f: {  	_ = 	snop  }
0x90: {  	s2 =	sld [smem:$0x3FD0];
	(tm) =	ssettm $0x1  }
0x91: {  	s18 =	sld [smem:$0x3FFB];
	_ =	sdelay $0x3  }
0x92: {  	_ =	strace s18  }
0x93: {  	s3 =	sld [smem:$0x3FFC];
	_ =	sdelay $0x3  }
0x94: {  	_ =	strace s3  }
0x95: {  	s3 =	sld [smem:$0x3FFD];
	_ =	sdelay $0x3  }
0x96: {  	_ =	strace s3  }
0x97: {  	_ =	strace $0x8FFFFFFF  }
0x98: {  	s19 =	sld [smem:$0x3FDB];
	_ =	sdelay $0x1  }
0x99: {  	s4 =	simm.s32 $_scs_section_size  }
0x9a: {  	s5 =	simm.s32 $_size__tile_overlayer_lowered;
	s6 =	simm.s32 $_tile_overlayer_lowered  }
0x9b: {  	s22 =	simm.s32 $0x1BFF;
	s21 =	sshll.u32 s6, $0x1;
	s3 =	sadd.s32 s4, s19  }
0x9c: {  	s7 =	simm.s32 $0x0;
	s20 =	sshll.u32 s5, $0x1;
	s5 =	sadd.s32 s21, s3  }
0x9d: {  	[timem:s7], [sflag:s22] =	dma.local [hbm:s5], s20  }
0x9e: {  	_ =	swait.ge [sflag:s22], s20  }
0x9f: {  	s4 =	ssub.s32 $0x0, s20;
	[sflag:s22] =	ssyncset.done $0x0  }
0xa0: {  	[sflag:s22] =	ssyncadd.s32 s4;
	_ =	sdelay $0x1  }
0xa1: {  	s23 =	simm.s32 $0x1B8B  }
0xa2: {  	_ =	swait.ge [sflag:s23], $0x1  }
0xa3: {  	[sflag:s23] =	ssyncset.done $0x0  }
0xa4: {  	s25 =	simm.s32 $0x1B8E;
	s24 =	sld [smem:$0x3FFE];
	[sflag:s23] =	ssyncadd.s32 $0xFFFFFFFF  }
0xa5: {  	s26 =	simm.s32 $execute0_lowered;
	[smem:$0x3FD2] =	sst s25  }
0xa6: {  	s5 =	sshll.u32 s26, $0x1;
	_ =	strace $0x80000049;
	[dreg:$0x1] =	wrdreg $0xFFFFFFFF  }
0xa7: {  	s28 =	simm.s32 $_size_execute0_lowered;
	s3 =	sadd.s32 s3, s5;
	[dreg:$0x0] =	wrdreg $0x0  }
0xa8: {  	s5 =	sshll.u32 s28, $0x1;
	[dreg:$0x2] =	wrdreg s3  }
0xa9: {  	[dreg:$0x3] =	wrdreg s5  }
0xaa: {  	[dreg:$0x4] =	wrdreg $0xC0  }
0xab: {  	_ =	task [dreg:s7], $0x5FFFF  }
0xac: {  	[dreg:$0x1] =	wrdreg $0xFFFFFFFF  }
0xad: {  	[dreg:$0x0] =	wrdreg $0x60  }
0xae: {  	[dreg:$0x2] =	wrdreg s24  }
0xaf: {  	[dreg:$0x3] =	wrdreg s2  }
0xb0: {  	[dreg:$0x4] =	wrdreg $0xBC000  }
0xb1: {  	[dreg:$0x5] =	wrdreg $0x9  }
0xb2: {  	_ =	task.clear_ibuf [dreg:s7], $0x6FFFF;
	_ =	strace $0x90000049  }
0xb3: {  	s29 =	simm.s32 $0x9;
	_ =	strace $0x8000004B  }
0xb4: {  	_ =	swait.ge [sflag:s29], $0x1  }
0xb5: {  	[sflag:s29] =	ssyncadd.s32 $0xFFFFFFFF  }
0xb6: {  	_ =	strace $0x9000004B  }
0xb7: {  	_ =	sfence  }
0xb8: {  	s30 =	sld [smem:$0x0];
	_ =	sdelay $0x2  }
0xb9: {  	s31 =	sshll.u32 s1, $0xD;
	s1 =	sshrl.u32 s1, $0x2  }
0xba: {  	s3 =	sand.u32 $0x4000, s31;
	s1 =	sadd.s32 s1, s30  }
0xbb: {  	s0 =	sor.u32 s3, s0;
	s1 =	sshll.u32 s1, $0x11  }
0xbc: {  	s0 =	sor.u32 s1, s0  }
0xbd: {  	s0 =	sadd.s32 $0x8F2B, s0  }
0xbe: {  	[sflag:s0] =	ssyncadd.remote.s32 $0x1  }
0xbf: {  	_ =	sfence.sel $0xFFFF  }
0xc0: {  	[dreg:$0x0] =	wrdreg $0xFFFFFFFF;
	(pc) =	sbr.abs _section_cstart, $3  }
0xc1: {  	[dreg:$0x1] =	wrdreg $0xFFFFFFFF  }
0xc2: {  	_ =	task.clear_ibuf [dreg:s7], $0x2FFFF;
	_ =	strace $0x9FFFFFFF  }
0xc3: {  	(tm) =	ssettm $0x7FFFFFFF  }
tec
execute0_lowered:
.L_overlay_start_1:
0x0: {  	(tag) =	ssettag $0x1  }
0x1: {  	s0 =	rddreg [dreg:$0x0]  }
0x2: {  	s1 =	rddreg [dreg:$0x1];
	s3 =	srdreg.scid  }
0x3: {  	s2 =	rddreg [dreg:$0x2];
	s15 =	stileid.u32  }
0x4: {  	s17 =	simm.s32 $0x7D;
	s18 =	simm.s32 $0x3C00;
	s19 =	simm.s32 $0x80  }
0x5: {  	s20 =	simm.s32 $0x7C00;
	s21 =	simm.s32 $0x1;
	s4 =	smul.u32 $0x500, s15  }
0x6: {  	s28 =	simm.s32 $0x0;
	s10 =	sand.u32 $0x1, s3;
	s6 =	smul.u32 $0x4E000, s15  }
0x7: {  	s3 =	simm.s32 $0x0;
	s8 =	smul.u32 $0x2700, s15;
	s26 =	sshll.u32 s15, $0x6  }
0x8: {  	s16 =	sadd.s32 $0x138000, s2;
	s12 =	smul.u32 $0x27000, s15;
	p0 =	sne.s32 s15, $0xF  }
0x9: {  	s15 =	simm.s32 $0x3;
	s5 =	smul.u32 $0x27100, s10;
	[smem:$0x7FF] =	sst s3  }
0xa: {  	s7 =	ssub.s32 $0x2, s10;
	s29 =	sshll.u32 s10, $0xA;
	s30 =	sshll.u32 s10, $0x7  }
0xb: {  	s10 =	sadd.s32 $0x6200, s0;
	s16 =	sshrl.u32 @!p0 s16, $0x3;
	_ =	strace $0x8000004A  }
0xc: {  	s11 =	sadd.s32 s4, s0;
	s22 =	sshrl.u32 s7, $0x1;
	s23 =	sshrl.u32 s6, $0x2  }
0xd: {  	s6 =	sor.u32 $0x1C03, s26;
	s9 =	sadd.s32 s5, s0;
	s13 =	ssub.s32 s7, s22  }
0xe: {  	s14 =	sadd.s32 s23, s2;
	s22 =	simm.s32 $0x2;
	s24 =	sadd.s32 s8, s9  }
0xf: {  	s7 =	sadd.s32 $0x80400, s9;
	s8 =	sadd.s32 $0x1200, s11;
	s9 =	sadd.s32 $0xB200, s9  }
0x10: {  	s11 =	sor.u32 s29, s12;
	s12 =	sadd.s32 s30, s1;
	s13 =	smax.u32 s13, $0x1  }
0x11: {  	s14 =	sshrl.u32 s14, $0x3;
	s25 =	sadd.s32 $0x59400, s24;
	s31 =	sshrl.u32 s11, $0x3  }
0x12: {  	s12 =	sadd.s32 $0x4E000, s12;
	[dreg:$0x4] =	wrdreg s25;
	s11 =	sadd.s32 s1, s31  }
.LBB2_1:
0x13: {  	s0 =	rddreg [dreg:$0x4]  }
0x14: {  	[spmem:s14], [sflag:s6] =	dma.local [hbm:s0], $0x2700  }
0x15: {  	_ =	swait.ge [sflag:s15], $0x2700  }
0x16: {  	[sflag:s15] =	ssyncset.done $0x0  }
0x17: {  	s0 =	simm.s32 @!p0 $0x3;
	[sflag:s15] =	ssyncadd.s32 $0xFFFFD900  }
0x18: {  	[spmem:s16], [sflag:s6] =	dma.local @!p0 [hbm:s7], $0x100  }
0x19: {  	_ =	swait.ge @!p0 [sflag:s0], $0x100  }
0x1a: {  	[sflag:s0] =	ssyncset.done @!p0 $0x0  }
0x1b: {  	[sflag:s0] =	ssyncadd.s32 @!p0 $0xFFFFFF00  }
0x1c: {  	[tilespmem:s3], [sflag:$0x3] =	stream.linear.gather [hbm4b:s8+s3], $0x2800, $0x38;
	[tilespmem:$0x1F480] =	vst v63  }
0x1d: {  	_ =	swait.ge [sflag:s15], $0x2800  }
0x1e: {  	p1 =	por $0x1, $0x1;
	s0 =	simm.s32 $0xFFFFFFD8;
	[sflag:s15] =	ssyncset.done $0x0  }
0x1f: {  	s0 =	smov.u32 @p1 s3;
	[sflag:s15] =	ssyncadd.s32 $0xFFFFD800  }
0x20: {  	p1 =	sne.s32 s0, $0x0;
	[bflag:$0x0] =	sbarrier.arrive $0xFFFF  }
0x21: {  	[tilespmem:s18], [sflag:$0x1] =	stream.indirect.gather [hbm4b:s9+s17], $0x80, s3, s17, $0xb8;
	[tilespmem:$0x1F480] =	vst v63  }
0x22: {  	s1 =	sand.u32 @!p1 $0xFF80, s4;
	s23 =	simm.s32 @!p1 $0x0  }
0x23: {  	[tilespmem:s20], [sflag:$0x2] =	stream.indirect.gather [hbm4b:s9+s17], $0x80, s19, s17, $0xb8;
	[tilespmem:$0x1F480] =	vst v63  }
0x24: {  	s29 =	simm.s32 @!p1 $0x2800;
	s30 =	simm.s32 @!p1 $0x3;
	s1 =	sadd.s32 @!p1 s1, s10  }
0x25: {  	[tilespmem:s29], [sflag:$0x3] =	stream.linear.gather @!p1 [hbm4b:s1+s23], $0x1400, $0x38;
	[tilespmem:$0x1F480] =	vst v63  }
0x26: {  	_ =	swait.ge @!p1 [sflag:s30], $0x1400  }
0x27: {  	[sflag:s30] =	ssyncset.done @!p1 $0x0  }
0x28: {  	[sflag:s30] =	ssyncadd.s32 @!p1 $0xFFFFEC00  }
0x29: {  	s0 =	sshll.u32 s0, $0x7;
	_ =	swait.ge [sflag:s21], $0x3E80  }
0x2a: {  	s0 =	sand.u32 $0x3FFFFF80, s0;
	[sflag:s21] =	ssyncset.done $0x0  }
0x2b: {  	s24 =	sadd.s32 $0x2800, s0;
	[sflag:s21] =	ssyncadd.s32 $0xFFFFC180  }
0x2c: {  	[spmem:s2] =	stream.indirect.scatter.add.f32 [tilespmem:s18], [sflag:$0x3], $0x80, s24, s17, $0xb8;
	[tilespmem:$0x1F480] =	vst v63  }
0x2d: {  	_ =	swait.ge [sflag:s15], $0x3E80  }
0x2e: {  	[sflag:s15] =	ssyncset.done $0x0  }
0x2f: {  	s25 =	simm.s32 $0x100;
	[sflag:s15] =	ssyncadd.s32 $0xFFFFC180  }
0x30: {  	[tilespmem:s18], [sflag:$0x1] =	stream.indirect.gather [hbm4b:s9+s17], $0x80, s25, s17, $0xb8;
	[tilespmem:$0x1F480] =	vst v63  }
0x31: {  	s31 =	sadd.s32 $0x20, s4;
	_ =	swait.ge [sflag:s22], $0x3E80  }
0x32: {  	s26 =	sadd.s32 $0x2880, s0;
	s0 =	simm.s32 $0x2;
	[sflag:s22] =	ssyncset.done $0x0  }
0x33: {  	s1 =	simm.s32 $0x180;
	s23 =	simm.s32 $0xFFFFFFDA;
	[sflag:s22] =	ssyncadd.s32 $0xFFFFC180  }
0x34: {  	[spmem:s2] =	stream.indirect.scatter.add.f32 [tilespmem:s20], [sflag:$0x3], $0x80, s26, s17, $0xb8;
	[tilespmem:$0x1F480] =	vst v63  }
0x35: {  	s29 =	simm.s32 $0x280;
	p1 =	por $0x1, $0x1;
	_ =	swait.ge [sflag:s15], $0x3E80  }
0x36: {  	s30 =	simm.s32 $0x2;
	s23 =	smov.u32 @p1 s0;
	[sflag:s15] =	ssyncset.done $0x0  }
.LBB2_2:
0x37: {  	p2 =	sne.s32 s23, $0x0  }
0x38: {  	[sflag:s15] =	ssyncadd.s32 $0xFFFFC180;
	s24 =	smov.u32 s30;
	s30 =	sadd.s32 $0x1, s30  }
0x39: {  	[tilespmem:s20], [sflag:$0x2] =	stream.indirect.gather [hbm4b:s9+s17], $0x80, s1, s17, $0xb8;
	[tilespmem:$0x1F480] =	vst v63  }
0x3a: {  	s1 =	sand.u32 @!p2 $0xFF80, s31;
	s25 =	simm.s32 @!p2 $0x0;
	s26 =	simm.s32 @!p2 $0x2800  }
0x3b: {  	p1 =	sne.s32 s30, $0x27;
	s5 =	simm.s32 @!p2 $0x3;
	s1 =	sadd.s32 @!p2 s1, s10  }
0x3c: {  	[tilespmem:s26], [sflag:$0x3] =	stream.linear.gather @!p2 [hbm4b:s1+s25], $0x1400, $0x38;
	[tilespmem:$0x1F480] =	vst v63  }
0x3d: {  	s1 =	smov.u32 s29;
	_ =	swait.ge @!p2 [sflag:s5], $0x1400  }
0x3e: {  	[sflag:s5] =	ssyncset.done @!p2 $0x0  }
0x3f: {  	[sflag:s5] =	ssyncadd.s32 @!p2 $0xFFFFEC00;
	s5 =	sshll.u32 s23, $0x7  }
0x40: {  	_ =	swait.ge [sflag:s21], $0x3E80;
	s5 =	sand.u32 $0x3FFFFF80, s5  }
0x41: {  	[sflag:s21] =	ssyncset.done $0x0;
	s23 =	sadd.s32 $0x2800, s5  }
0x42: {  	[sflag:s21] =	ssyncadd.s32 $0xFFFFC180  }
0x43: {  	[spmem:s2] =	stream.indirect.scatter.add.f32 [tilespmem:s18], [sflag:$0x3], $0x80, s23, s17, $0xb8;
	[tilespmem:$0x1F480] =	vst v63  }
0x44: {  	_ =	swait.ge [sflag:s15], $0x3E80  }
0x45: {  	s23 =	sadd.s32 $0xFFFFFF80, s29;
	[sflag:s15] =	ssyncset.done $0x0  }
0x46: {  	[sflag:s15] =	ssyncadd.s32 $0xFFFFC180  }
0x47: {  	[tilespmem:s18], [sflag:$0x1] =	stream.indirect.gather [hbm4b:s9+s17], $0x80, s23, s17, $0xb8;
	[tilespmem:$0x1F480] =	vst v63  }
0x48: {  	_ =	swait.ge [sflag:s22], $0x3E80  }
.Ltmp0:
0x49: {  	s5 =	sadd.s32 $0x2880, s5;
	[sflag:s22] =	ssyncset.done $0x0;
	(pc) =	sbr.rel @p1 .LBB2_2-.Ltmp0, $4  }
0x4a: {  	s0 =	sadd.s32 $0x2, s0;
	s31 =	sadd.s32 $0x20, s31;
	[sflag:s22] =	ssyncadd.s32 $0xFFFFC180  }
0x4b: {  	[spmem:s2] =	stream.indirect.scatter.add.f32 [tilespmem:s20], [sflag:$0x3], $0x80, s5, s17, $0xb8;
	[tilespmem:$0x1F480] =	vst v63  }
0x4c: {  	p2 =	slt.u32 s24, $0x14;
	s23 =	sadd.s32 $0xFFFFFFD8, s0;
	_ =	swait.ge [sflag:s15], $0x3E80  }
0x4d: {  	s29 =	sadd.s32 $0x100, s29;
	s23 =	smov.u32 @p2 s0;
	[sflag:s15] =	ssyncset.done $0x0  }
0x4e: {  	p1 =	sne.s32 s23, $0x0;
	[sflag:s15] =	ssyncadd.s32 $0xFFFFC180  }
0x4f: {  	[tilespmem:s20], [sflag:$0x2] =	stream.indirect.gather [hbm4b:s9+s17], $0x80, s1, s17, $0xb8;
	[tilespmem:$0x1F480] =	vst v63  }
0x50: {  	s0 =	sand.u32 @!p1 $0xFF80, s31  }
0x51: {  	s1 =	simm.s32 @!p1 $0x0;
	s5 =	simm.s32 @!p1 $0x2800;
	s0 =	sadd.s32 @!p1 s0, s10  }
0x52: {  	[tilespmem:s5], [sflag:$0x3] =	stream.linear.gather @!p1 [hbm4b:s0+s1], $0x1400, $0x38;
	[tilespmem:$0x1F480] =	vst v63  }
0x53: {  	s0 =	simm.s32 @!p1 $0x3  }
0x54: {  	_ =	swait.ge @!p1 [sflag:s0], $0x1400  }
0x55: {  	[sflag:s0] =	ssyncset.done @!p1 $0x0  }
0x56: {  	[sflag:s0] =	ssyncadd.s32 @!p1 $0xFFFFEC00  }
0x57: {  	s23 =	sshll.u32 s23, $0x7;
	_ =	swait.ge [sflag:s21], $0x3E80  }
0x58: {  	s0 =	sand.u32 $0x3FFFFF80, s23;
	[sflag:s21] =	ssyncset.done $0x0  }
0x59: {  	s24 =	sadd.s32 $0x2800, s0;
	[sflag:s21] =	ssyncadd.s32 $0xFFFFC180  }
0x5a: {  	[spmem:s2] =	stream.indirect.scatter.add.f32 [tilespmem:s18], [sflag:$0x3], $0x80, s24, s17, $0xb8;
	[tilespmem:$0x1F480] =	vst v63  }
0x5b: {  	_ =	swait.ge [sflag:s15], $0x3E80  }
0x5c: {  	[sflag:s15] =	ssyncset.done $0x0  }
0x5d: {  	s25 =	sadd.s32 $0xFFFFFF80, s29;
	[sflag:s15] =	ssyncadd.s32 $0xFFFFC180  }
0x5e: {  	[tilespmem:s18], [sflag:$0x1] =	stream.indirect.gather [hbm4b:s9+s17], $0x80, s25, s17, $0xb8;
	[tilespmem:$0x1F480] =	vst v63  }
0x5f: {  	_ =	swait.ge [sflag:s22], $0x3E80  }
0x60: {  	[sflag:s22] =	ssyncset.done $0x0  }
0x61: {  	s0 =	sadd.s32 $0x2880, s0;
	[sflag:s22] =	ssyncadd.s32 $0xFFFFC180  }
0x62: {  	[spmem:s2] =	stream.indirect.scatter.add.f32 [tilespmem:s20], [sflag:$0x3], $0x80, s0, s17, $0xb8;
	[tilespmem:$0x1F480] =	vst v63  }
0x63: {  	_ =	swait.ge [sflag:s15], $0x3E80  }
0x64: {  	[sflag:s15] =	ssyncset.done $0x0  }
0x65: {  	[sflag:s15] =	ssyncadd.s32 $0xFFFFC180  }
0x66: {  	[tilespmem:s20], [sflag:$0x2] =	stream.indirect.gather [hbm4b:s9+s17], $0x80, s29, s17, $0xb8;
	[tilespmem:$0x1F480] =	vst v63  }
0x67: {  	_ =	swait.ge [sflag:s21], $0x3E80  }
0x68: {  	[sflag:s21] =	ssyncset.done $0x0  }
0x69: {  	s26 =	simm.s32 $0x3B00;
	[sflag:s21] =	ssyncadd.s32 $0xFFFFC180  }
0x6a: {  	[spmem:s2] =	stream.indirect.scatter.add.f32 [tilespmem:s18], [sflag:$0x3], $0x80, s26, s17, $0xb8;
	[tilespmem:$0x1F480] =	vst v63  }
0x6b: {  	_ =	swait.ge [sflag:s15], $0x3E80  }
0x6c: {  	[sflag:s15] =	ssyncset.done $0x0  }
0x6d: {  	[sflag:s15] =	ssyncadd.s32 $0xFFFFC180  }
0x6e: {  	_ =	swait.ge [sflag:s22], $0x3E80  }
0x6f: {  	[sflag:s22] =	ssyncset.done $0x0  }
0x70: {  	s29 =	simm.s32 $0x3B80;
	[sflag:s22] =	ssyncadd.s32 $0xFFFFC180  }
0x71: {  	[spmem:s2] =	stream.indirect.scatter.add.f32 [tilespmem:s20], [sflag:$0x3], $0x80, s29, s17, $0xb8;
	[tilespmem:$0x1F480] =	vst v63  }
0x72: {  	_ =	swait.ge [sflag:s15], $0x3E80  }
0x73: {  	[sflag:s15] =	ssyncset.done $0x0  }
0x74: {  	[sflag:s15] =	ssyncadd.s32 $0xFFFFC180  }
0x75: {  	s30 =	simm.s32 $0x8;
	s31 =	simm.s32 $0x100;
	[bflag:$0x0] =	sbarrier.arrive $0xFFFF  }
0x76: {  	[hbm:s11@s31], [sflag:s6] =	dma.strided [spmem:s14@s19], $0x2700, s30, $0x10   }
0x77: {  	s28 =	sadd.s32 $0x1, s28;
	_ =	swait.ge [sflag:s15], $0x2700  }
0x78: {  	s1 =	simm.s32 @!p0 $0x100;
	s5 =	simm.s32 @!p0 $0x80;
	[sflag:s15] =	ssyncset.done $0x0  }
0x79: {  	p1 =	sne.s32 s28, s13;
	s0 =	simm.s32 @!p0 $0x8;
	[sflag:s15] =	ssyncadd.s32 $0xFFFFD900  }
0x7a: {  	[hbm:s12@s1], [sflag:s6] =	dma.strided @!p0 [spmem:s16@s5], $0x100, s0, $0x10   }
.Ltmp1:
0x7b: {  	_ = 	snop;
	(pc) =	sbr.rel @p1 .LBB2_1-.Ltmp1, $4  }
0x7c: {  	s0 =	simm.s32 @!p0 $0x3  }
0x7d: {  	_ =	swait.ge @!p0 [sflag:s0], $0x100  }
0x7e: {  	[sflag:s0] =	ssyncset.done @!p0 $0x0  }
0x7f: {  	[sflag:s0] =	ssyncadd.s32 @!p0 $0xFFFFFF00  }
0x80: {  	_ =	sfence.sel $0x180000  }
0x81: {  	[bflag:$0x0] =	sbarrier.arrive $0xFFFF  }
0x82: {  	_ =	strace $0x9000004A  }
0x83: {  	s0 =	stileid.u32;
	[bflag:$0x2] =	sbarrier.arrive $0xFFFF  }
0x84: {  	p0 =	sne.s32 s0, $0x0;
	s0 =	rddreg [dreg:$0x3]  }
0x85: {  	s0 =	sadd.s32 @!p0 $0x100000, s0  }
0x86: {  	[sflag:s0] =	ssyncadd.tile.s32 @!p0 $0x1;
	_ =	shalt  }
.Lfunc_end2:
_tile_overlayer_lowered:
.L_overlay_start_2:
0x87: {  	(tag) =	ssettag $0x2  }
0x88: {  	s0 =	rddreg [dreg:$0x0];
	s2 =	stileid.u32  }
0x89: {  	s1 =	rddreg [dreg:$0x1];
	p0 =	sne.s32 s2, $0x0  }
0x8a: {  	s3 =	rddreg [dreg:$0x2];
	[bflag:$0x3] =	sbarrier.arrive $0xFFFF;
	s2 =	simm.s32 @!p0 $0x1C03  }
0x8b: {  	[timem:s3], [sflag:s2] =	dma.local @!p0 [hbm:s0], s1  }
0x8c: {  	s0 =	simm.s32 @!p0 $0x3  }
0x8d: {  	_ =	swait.ge @!p0 [sflag:s0], s1  }
0x8e: {  	s1 =	ssub.s32 @!p0 $0x0, s1;
	[sflag:s0] =	ssyncset.done @!p0 $0x0  }
0x8f: {  	[sflag:s0] =	ssyncadd.s32 @!p0 s1  }
0x90: {  	[bflag:$0x3] =	sbarrier.arrive $0xFFFF  }
0x91: {  	_ =	shalt  }

</sc_bundles>
